<compile_context>
chip_gen: v7x
topology: tpu7x:2x2x1
jax: 0.10.2.dev20260603
libtpu: 0.0.44.dev20260713+nightly
codegen_flags: <defaults>
</compile_context>

<pallas_src>
import functools

import numpy as np
import jax
import jax.numpy as jnp
from jax import lax
from jax.experimental import pallas as pl
from jax.experimental.pallas import tpu as pltpu
from jax.experimental.pallas import tpu_sc as plsc

N = 10000
E = 320000
C = 132
BETA = 1.0
W = 256
WS = 128
NPAD = 10240
NC_SC = 2
NS_SC = 16
NW = NC_SC * NS_SC
CHUNK = 80
EPW = E // NW
NCH = EPW // CHUNK
EB = 1600
NBLK = E // EB

_HI = jax.lax.Precision.HIGHEST
_MED = jax.lax.Precision.DEFAULT
_f32 = jnp.float32

def _vec_mesh():
    return plsc.VectorSubcoreMesh(core_axis_name="c", subcore_axis_name="s")



def _sc_gather(cat_pad, idx_flat):
    @functools.partial(
        pl.kernel,
        out_type=[jax.ShapeDtypeStruct((E, W), _f32),
                  jax.ShapeDtypeStruct((E, W), _f32)],
        mesh=_vec_mesh(),
        scratch_types=[pltpu.VMEM((CHUNK,), jnp.int32),
                       pltpu.VMEM((CHUNK, W), _f32),
                       pltpu.VMEM((CHUNK,), jnp.int32),
                       pltpu.VMEM((CHUNK, W), _f32),
                       pltpu.SemaphoreType.DMA],
    )
    def k(cat_hbm, idx_hbm, oi_hbm, oj_hbm, idxi_v, rowsi_v, idxj_v, rowsj_v, sem):
        wid = lax.axis_index("s") * NC_SC + lax.axis_index("c")
        base0 = wid * EPW

        @pl.loop(0, NCH)
        def _(kk):
            base = base0 + kk * CHUNK
            pltpu.sync_copy(idx_hbm.at[pl.ds(base, CHUNK)], idxi_v)
            pltpu.sync_copy(idx_hbm.at[pl.ds(E + base, CHUNK)], idxj_v)
            pltpu.async_copy(cat_hbm.at[idxi_v], rowsi_v, sem).wait()
            pltpu.sync_copy(rowsi_v, oi_hbm.at[pl.ds(base, CHUNK)])
            pltpu.async_copy(cat_hbm.at[idxj_v], rowsj_v, sem).wait()
            pltpu.sync_copy(rowsj_v, oj_hbm.at[pl.ds(base, CHUNK)])

    return k(cat_pad, idx_flat)


def _sc_scatter4(p0, p1, p2, p3, idx3, zer):
    @functools.partial(
        pl.kernel,
        out_type=[jax.ShapeDtypeStruct((NC_SC, NPAD, WS), _f32)] * 4,
        mesh=_vec_mesh(),
        scratch_types=[pltpu.VMEM((CHUNK,), jnp.int32),
                       pltpu.VMEM((CHUNK, WS), _f32),
                       pltpu.VMEM_SHARED((NPAD, WS), _f32),
                       pltpu.SemaphoreType.DMA],
    )
    def k(p0_hbm, p1_hbm, p2_hbm, p3_hbm, idx_hbm, z_hbm,
          o0_hbm, o1_hbm, o2_hbm, o3_hbm, idx_v, rows_v, acc, sem):
        cid = lax.axis_index("c")
        sid = lax.axis_index("s")
        wid = sid * NC_SC + cid
        base0 = wid * EPW
        rows_per = NPAD // NS_SC
        for p_hbm, o_hbm in ((p0_hbm, o0_hbm), (p1_hbm, o1_hbm),
                             (p2_hbm, o2_hbm), (p3_hbm, o3_hbm)):
            @pl.when(sid == 0)
            def _():
                pltpu.sync_copy(z_hbm, acc)
            plsc.subcore_barrier()

            @pl.loop(0, NCH)
            def _(kk):
                base = base0 + kk * CHUNK
                pltpu.sync_copy(idx_hbm.at[wid, kk], idx_v)
                pltpu.sync_copy(p_hbm.at[pl.ds(base, CHUNK)], rows_v)
                pltpu.sync_copy(rows_v, acc.at[idx_v], add=True)

            plsc.subcore_barrier()
            pltpu.sync_copy(acc.at[pl.ds(sid * rows_per, rows_per)],
                            o_hbm.at[cid, pl.ds(sid * rows_per, rows_per)])
            plsc.subcore_barrier()

    return k(p0, p1, p2, p3, idx3, zer)



def _eb_spec(width):
    return pl.BlockSpec((EB, width), lambda i: (i, 0))


def _full_spec(shape):
    return pl.BlockSpec(shape, lambda i: tuple(0 for _ in shape))


def _k2_body(gi, gj, wt, wb, a_o, b_o, pd_o, stm_o, sts_o):
    i = pl.program_id(0)
    gi_ = gi[...]
    gj_ = gj[...]
    diff = gj_ - gi_
    A = jnp.dot(gi_, wt[...], precision=_MED)
    B = jnp.dot(diff, wb[...], precision=_MED)
    a_o[...] = A
    b_o[...] = B
    pd_o[...] = diff[:, 132:140]
    l = lax.broadcasted_iota(jnp.int32, (1, W), 1)
    pm = jnp.where((l >= 132) & (l < 135), 1.0, 0.0).astype(_f32)

    @pl.when(i == 0)
    def _():
        stm_o[...] = jnp.zeros_like(stm_o)
        sts_o[...] = jnp.zeros_like(sts_o)

    stm_o[0:1, :] += jnp.sum(A, 0, keepdims=True)
    stm_o[1:2, :] += jnp.sum(B, 0, keepdims=True)
    stm_o[2:3, :] += jnp.sum(A * A, 0, keepdims=True)
    stm_o[3:4, :] += jnp.sum(B * B, 0, keepdims=True)
    stm_o[4:5, :] += jnp.sum(A * B, 0, keepdims=True)
    sts_o[0:1, :] += jnp.sum(diff, 0, keepdims=True)
    sts_o[1:2, :] += jnp.sum(diff * diff, 0, keepdims=True)
    sts_o[2:3, :] += jnp.sum(diff * pm, 0, keepdims=True)
    sts_o[3:4, :] += jnp.sum(diff * diff * pm, 0, keepdims=True)


def _k2(gi, gj, wt, wb):
    return pl.pallas_call(
        _k2_body,
        grid=(NBLK,),
        in_specs=[_eb_spec(W), _eb_spec(W), _full_spec((W, C)), _full_spec((W, C))],
        out_specs=[_eb_spec(C), _eb_spec(C), _eb_spec(8),
                   _full_spec((8, C)), _full_spec((8, W))],
        out_shape=[jax.ShapeDtypeStruct((E, C), _f32),
                   jax.ShapeDtypeStruct((E, C), _f32),
                   jax.ShapeDtypeStruct((E, 8), _f32),
                   jax.ShapeDtypeStruct((8, C), _f32),
                   jax.ShapeDtypeStruct((8, W), _f32)],
    )(gi, gj, wt, wb)


def _k3_body(a_i, b_i, pd_i, cst, xw_o, sx_o, m_o):
    i = pl.program_id(0)
    c = cst[...]
    pd = pd_i[...]
    ang = (pd[:, 0:1] * c[5:6, :] + pd[:, 1:2] * c[6:7, :] + pd[:, 2:3] * c[7:8, :])
    pe = jnp.sin(ang * c[3:4, :] + c[4:5, :])
    xw1 = jax.nn.relu(a_i[...] * c[0:1, :] + b_i[...] * c[1:2, :] + c[2:3, :])
    xw = pe * (xw1 + pe)
    xw_o[...] = xw

    @pl.when(i == 0)
    def _():
        sx_o[...] = jnp.zeros_like(sx_o)
        m_o[...] = jnp.zeros_like(m_o)

    sx_o[0:1, :] += jnp.sum(xw, 0, keepdims=True)
    m_o[...] += lax.dot_general(xw, xw, (((0,), (0,)), ((), ())), precision=_MED)


def _k3(A, B, pd, cst):
    return pl.pallas_call(
        _k3_body,
        grid=(NBLK,),
        in_specs=[_eb_spec(C), _eb_spec(C), _eb_spec(8), _full_spec((8, C))],
        out_specs=[_eb_spec(C), _full_spec((8, C)), _full_spec((C, C))],
        out_shape=[jax.ShapeDtypeStruct((E, C), _f32),
                   jax.ShapeDtypeStruct((8, C), _f32),
                   jax.ShapeDtypeStruct((C, C), _f32)],
    )(A, B, pd, cst)


def _k4_body(x_i, w1, w2, cst, h2_o, sh_o, m_o):
    i = pl.program_id(0)
    c = cst[...]
    h = jax.nn.relu(jnp.dot(x_i[...], w1[...], precision=_MED) * c[0:1, :] + c[1:2, :])
    h2v = jnp.dot(h, w2[...], precision=_MED) + c[2:3, :]
    h2_o[...] = h2v

    @pl.when(i == 0)
    def _():
        sh_o[...] = jnp.zeros_like(sh_o)
        sh_o[1:2, :] = jnp.full_like(sh_o[1:2, :], -jnp.inf)
        sh_o[2:3, :] = jnp.full_like(sh_o[2:3, :], jnp.inf)
        m_o[...] = jnp.zeros_like(m_o)

    sh_o[0:1, :] += jnp.sum(h, 0, keepdims=True)
    sh_o[1:2, :] = jnp.maximum(sh_o[1:2, :], jnp.max(h2v, 0, keepdims=True))
    sh_o[2:3, :] = jnp.minimum(sh_o[2:3, :], jnp.min(h2v, 0, keepdims=True))
    m_o[...] += lax.dot_general(h, h, (((0,), (0,)), ((), ())), precision=_MED)


def _k4(x, w1, w2, cst):
    return pl.pallas_call(
        _k4_body,
        grid=(NBLK,),
        in_specs=[_eb_spec(C), _full_spec((C, C)), _full_spec((C, C)), _full_spec((8, C))],
        out_specs=[_eb_spec(C), _full_spec((8, C)), _full_spec((C, C))],
        out_shape=[jax.ShapeDtypeStruct((E, C), _f32),
                   jax.ShapeDtypeStruct((8, C), _f32),
                   jax.ShapeDtypeStruct((C, C), _f32)],
    )(x, w1, w2, cst)


def _k5_body(h2_i, xw_i, cst, o_o, so_o, m_o):
    i = pl.program_id(0)
    c = cst[...]
    o = jax.nn.relu(h2_i[...] * c[0:1, :] + c[1:2, :] + xw_i[...])
    o_o[...] = o

    @pl.when(i == 0)
    def _():
        so_o[...] = jnp.zeros_like(so_o)
        m_o[...] = jnp.zeros_like(m_o)

    so_o[0:1, :] += jnp.sum(o, 0, keepdims=True)
    so_o[1:2, :] = jnp.maximum(so_o[1:2, :], jnp.max(o, 0, keepdims=True))
    m_o[...] += lax.dot_general(o, o, (((0,), (0,)), ((), ())), precision=_MED)


def _k5(h2, xw, cst):
    return pl.pallas_call(
        _k5_body,
        grid=(NBLK,),
        in_specs=[_eb_spec(C), _eb_spec(C), _full_spec((8, C))],
        out_specs=[_eb_spec(C), _full_spec((8, C)), _full_spec((C, C))],
        out_shape=[jax.ShapeDtypeStruct((E, C), _f32),
                   jax.ShapeDtypeStruct((8, C), _f32),
                   jax.ShapeDtypeStruct((C, C), _f32)],
    )(h2, xw, cst)


def _k78_body(hb2_i, o1_i, cst, p0_o, p1_o, p2_o, p3_o):
    c = cst[...]
    o = jax.nn.relu(hb2_i[...] * c[0:1, :] + c[1:2, :] + o1_i[...])
    e = jnp.exp(o * c[2:3, :] - c[3:4, :])
    oe = e * o
    one = jnp.ones((EB, 1), _f32)
    ztail = jnp.zeros((EB, WS - 13), _f32)
    p0_o[...] = e[:, 0:WS]
    p1_o[...] = oe[:, 0:WS]
    p2_o[...] = o[:, 0:WS]
    p3_o[...] = jnp.concatenate(
        [e[:, WS:C], oe[:, WS:C], o[:, WS:C], one, ztail], axis=1)


def _k78(hb2, o1, cst):
    return pl.pallas_call(
        _k78_body,
        grid=(NBLK,),
        in_specs=[_eb_spec(C), _eb_spec(C), _full_spec((8, C))],
        out_specs=[_eb_spec(WS)] * 4,
        out_shape=[jax.ShapeDtypeStruct((E, WS), _f32)] * 4,
    )(hb2, o1, cst)


_NB9 = 10
_RB9 = N // _NB9


def _k9_body(p0_i, p1_i, p2_i, p3_i, msg_o):
    g3 = p3_i[0] + p3_i[1]
    es = jnp.concatenate([p0_i[0] + p0_i[1], g3[:, 0:4]], axis=1)
    oes = jnp.concatenate([p1_i[0] + p1_i[1], g3[:, 4:8]], axis=1)
    os_ = jnp.concatenate([p2_i[0] + p2_i[1], g3[:, 8:12]], axis=1)
    cnt = g3[:, 12:13]
    msg_o[...] = oes / (es + 1e-16) + os_ / (cnt + 1e-16)


def _k9(q0, q1, q2, q3):
    spec_in = pl.BlockSpec((NC_SC, _RB9, WS), lambda i: (0, i, 0))
    return pl.pallas_call(
        _k9_body,
        grid=(_NB9,),
        in_specs=[spec_in] * 4,
        out_specs=[pl.BlockSpec((_RB9, C), lambda i: (i, 0))],
        out_shape=[jax.ShapeDtypeStruct((N, C), _f32)],
    )(q0, q1, q2, q3)[0]



def _bn_lin_stats(mu_x, S, Wm, bv, g, bt):
    mw = jnp.dot(mu_x, Wm, precision=_HI)
    mean_h = mw + bv
    SW = jnp.dot(S, Wm, precision=_HI)
    Eh2 = jnp.sum(Wm * SW, axis=0) + 2.0 * bv * mw + bv * bv
    var = Eh2 - mean_h * mean_h
    a = g / jnp.sqrt(var + 1e-5)
    b = bt - mean_h * a
    return a, b, bv * a + b


def _pe_consts():
    half = (C // 3) // 2
    fcol = np.zeros((C,), np.float32)
    off = np.zeros((C,), np.float32)
    masks = np.zeros((3, C), np.float32)
    for d in range(3):
        for k in range(half):
            fcol[d * 44 + k] = 1.0
            fcol[d * 44 + half + k] = 1.0
            off[d * 44 + half + k] = np.pi / 2
            masks[d, d * 44 + k] = 1.0
            masks[d, d * 44 + half + k] = 1.0
    return fcol, off, masks


_FCOL, _OFF, _MASKS = _pe_consts()


def kernel(pos, x, edge_index, affine_w, affine_b, lin_W, lin_b, lin_g, lin_bt, freq,
           res_W1, res_b1, res_g1, res_bt1, res_W2, res_b2, res_g2, res_bt2,
           t_max_p, t_avg_p):
    cat = jnp.concatenate([x, pos], axis=1)
    cat_pad = jnp.pad(cat, ((0, 0), (0, W - (C + 3))))
    idx_flat = edge_index.reshape(-1)
    gi, gj = _sc_gather(cat_pad, idx_flat)

    Wtop = jnp.pad(lin_W[: C + 3], ((0, W - (C + 3)), (0, 0)))
    Wbot = lin_W[C + 3:]
    Wbot_s = jnp.pad(affine_w[:, None] * Wbot, ((0, W - (C + 3)), (0, 0)))
    cbL = jnp.dot(affine_b, Wbot, precision=_HI) + lin_b

    A, B, pd, stm, sts = _k2(gi, gj, Wtop, Wbot_s)

    Ef = float(E)
    sd1 = jnp.sum(sts[0]); sd2 = jnp.sum(sts[1])
    sp1 = jnp.sum(sts[2]); sp2 = jnp.sum(sts[3])
    n_x = Ef * 135.0
    var_x = (sd2 - sd1 * sd1 / n_x) / (n_x - 1.0)
    s = 1.0 / (jnp.sqrt(var_x) + 1e-5)
    n_p = Ef * 3.0
    var_p = (sp2 - sp1 * sp1 / n_p) / (n_p - 1.0)
    sp_inv = 1.0 / ((jnp.sqrt(var_p) + 1e-5) * BETA)

    m_ab = (stm[0] + s * stm[1]) / Ef
    q = (stm[2] + 2.0 * s * stm[4] + s * s * stm[3]) / Ef
    var1 = q - m_ab * m_ab
    mean1 = m_ab + cbL
    a1 = lin_g / jnp.sqrt(var1 + 1e-5)
    b1_ = lin_bt - mean1 * a1

    fvec = jnp.concatenate([freq, freq, freq, freq, freq, freq]) * jnp.asarray(_FCOL)
    cst3 = jnp.stack([a1, s * a1, cbL * a1 + b1_, fvec * sp_inv,
                      jnp.asarray(_OFF), jnp.asarray(_MASKS[0]),
                      jnp.asarray(_MASKS[1]), jnp.asarray(_MASKS[2])])
    xw, sxw, Mxw = _k3(A, B, pd, cst3)

    a2, _, c2 = _bn_lin_stats(sxw[0] / Ef, Mxw / Ef, res_W1[0], res_b1[0],
                              res_g1[0], res_bt1[0])
    z = jnp.zeros((C,), _f32)
    h2, sh, Mh = _k4(xw, res_W1[0], res_W2[0],
                     jnp.stack([a2, c2, res_b2[0], z, z, z, z, z]))

    a3, b3, _ = _bn_lin_stats(sh[0] / Ef, Mh / Ef, res_W2[0], res_b2[0],
                              res_g2[0], res_bt2[0])
    out1, so1, Mo1 = _k5(h2, xw, jnp.stack([a3, b3, z, z, z, z, z, z]))

    a4, _, c4 = _bn_lin_stats(so1[0] / Ef, Mo1 / Ef, res_W1[1], res_b1[1],
                              res_g1[1], res_bt1[1])
    hb2, shb, Mhb = _k4(out1, res_W1[1], res_W2[1],
                        jnp.stack([a4, c4, res_b2[1], z, z, z, z, z]))

    a5, b5, _ = _bn_lin_stats(shb[0] / Ef, Mhb / Ef, res_W2[1], res_b2[1],
                              res_g2[1], res_bt2[1])
    ub_bn = jnp.maximum(a5 * shb[1], a5 * shb[2]) + b5
    ub_out = jax.nn.relu(ub_bn + so1[1])
    m_c = jnp.maximum(t_max_p * ub_out, 0.0)
    p0, p1, p2, p3 = _k78(hb2, out1, jnp.stack([a5, b5, t_max_p, m_c,
                                                z, z, z, z]))

    idx3 = edge_index[0].reshape(NW, NCH, CHUNK)
    zer = jnp.zeros((NPAD, WS), _f32)
    q0, q1, q2, q3 = _sc_scatter4(p0, p1, p2, p3, idx3, zer)
    return _k9(q0, q1, q2, q3)

# --- scband reference (transcript-rebuilt; emitter-appended) ---
"""Pipeline reference for scband-gapl-84945863180510 (READ-ONLY COPY).

The authoritative reference and input builder live on the scoring server;
editing this copy changes nothing except your own understanding.
"""

import jax, jax.numpy as jnp
import numpy as np

N = 10000
E = 320000
C = 132
NB = 2
ALPHA = 1e-4
BETA = 1.0


def _bn(h, g, b, eps=1e-5):
    mu = jnp.mean(h, axis=0, keepdims=True)
    var = jnp.mean((h - mu) ** 2, axis=0, keepdims=True)
    return g * (h - mu) / jnp.sqrt(var + eps) + b


def _softmax_agg(h, idx, t, num_seg):
    a = h * t
    m = jax.ops.segment_max(a, idx, num_segments=num_seg)
    e = jnp.exp(a - m[idx])
    s = jax.ops.segment_sum(e, idx, num_segments=num_seg)
    alpha = e / (s[idx] + 1e-16)
    return jax.ops.segment_sum(h * alpha, idx, num_segments=num_seg)


def setup_inputs(seed: int = 0):
    key = jax.random.key(seed)
    k = lambda i: jax.random.fold_in(key, i)
    pos = jax.random.normal(k(0), (N, 3), dtype=jnp.float32)
    x = jax.random.normal(k(1), (N, C), dtype=jnp.float32)
    edge_index = jax.random.randint(k(2), (2, E), 0, N, dtype=jnp.int32)
    affine_w = jnp.ones((C + 3,), dtype=jnp.float32)
    affine_b = jnp.zeros((C + 3,), dtype=jnp.float32)
    d_in = (C + 3) * 2
    lin_W = jax.random.normal(k(3), (d_in, C), dtype=jnp.float32) / np.sqrt(d_in)
    lin_b = jnp.zeros((C,), dtype=jnp.float32)
    lin_g = jnp.ones((C,), dtype=jnp.float32)
    lin_bt = jnp.zeros((C,), dtype=jnp.float32)
    half = (C // 3) // 2
    freq = jnp.power(ALPHA, jnp.linspace(0.0, 1.0, half)).astype(jnp.float32)
    res_W1 = jax.random.normal(k(4), (NB, C, C), dtype=jnp.float32) / np.sqrt(C)
    res_b1 = jnp.zeros((NB, C), dtype=jnp.float32)
    res_g1 = jnp.ones((NB, C), dtype=jnp.float32)
    res_bt1 = jnp.zeros((NB, C), dtype=jnp.float32)
    res_W2 = jax.random.normal(k(5), (NB, C, C), dtype=jnp.float32) / np.sqrt(C)
    res_b2 = jnp.zeros((NB, C), dtype=jnp.float32)
    res_g2 = jnp.ones((NB, C), dtype=jnp.float32)
    res_bt2 = jnp.zeros((NB, C), dtype=jnp.float32)
    t_max_p = jnp.full((C,), 1.0, dtype=jnp.float32)
    t_avg_p = jnp.full((C,), 0.0, dtype=jnp.float32)
    return dict(pos=pos, x=x, edge_index=edge_index, affine_w=affine_w, affine_b=affine_b,
                lin_W=lin_W, lin_b=lin_b, lin_g=lin_g, lin_bt=lin_bt, freq=freq,
                res_W1=res_W1, res_b1=res_b1, res_g1=res_g1, res_bt1=res_bt1,
                res_W2=res_W2, res_b2=res_b2, res_g2=res_g2, res_bt2=res_bt2,
                t_max_p=t_max_p, t_avg_p=t_avg_p)


def reference(pos, x, edge_index, affine_w, affine_b, lin_W, lin_b, lin_g, lin_bt, freq,
              res_W1, res_b1, res_g1, res_bt1, res_W2, res_b2, res_g2, res_bt2,
              t_max_p, t_avg_p):
    idx_i = edge_index[0]
    idx_j = edge_index[1]
    pos_i = pos[idx_i]
    pos_j = pos[idx_j]
    x_i = jnp.concatenate([x[idx_i], pos_i], axis=-1)
    x_j = jnp.concatenate([x[idx_j], pos_j], axis=-1)
    diff = x_j - x_i
    std_x = jnp.std(diff, ddof=1)
    x_rel = diff / (std_x + 1e-5)
    x_rel = affine_w * x_rel + affine_b
    x_w = jnp.concatenate([x_i, x_rel], axis=-1)
    x_w = jax.nn.relu(_bn(x_w @ lin_W + lin_b, lin_g, lin_bt))
    pdiff = pos_j - pos_i
    std_pos = jnp.std(pdiff, ddof=1)
    pos_rel = pdiff / (std_pos + 1e-5)
    v = pos_rel.reshape(-1, 1) / BETA
    enc = v * freq[None, :]
    pe = jnp.concatenate([jnp.sin(enc), jnp.cos(enc)], axis=-1).reshape(pos_rel.shape[0], C)
    x_w = pe * (x_w + pe)
    out = x_w
    for bix in range(NB):
        h = jax.nn.relu(_bn(out @ res_W1[bix] + res_b1[bix], res_g1[bix], res_bt1[bix]))
        h = h @ res_W2[bix] + res_b2[bix]
        out = jax.nn.relu(_bn(h, res_g2[bix], res_bt2[bix]) + out)
    num_seg = pos.shape[0]
    msg = _softmax_agg(out, idx_i, t_max_p, num_seg) + _softmax_agg(out, idx_i, t_avg_p, num_seg)
    return msg

if __name__ == "__main__":
    import jax
    _d = setup_inputs()
    print(jax.jit(kernel)(*tuple(_d.values())))

</pallas_src>

<mosaic_0001>
#map = affine_map<(d0, d1) -> (0, 0)>
#map1 = affine_map<(d0, d1) -> (0)>
module attributes {stable_mosaic.version = 14 : i64} {
  func.func @k(%arg0: i32, %arg1: i32, %arg2: memref<10000x256xf32, #tpu.memory_space<hbm>>, %arg3: memref<640000xi32, #tpu.memory_space<hbm>>, %arg4: memref<320000x256xf32, #tpu.memory_space<hbm>>, %arg5: memref<320000x256xf32, #tpu.memory_space<hbm>>, %arg6: memref<80xi32, #tpu.memory_space<vmem>>, %arg7: memref<80x256xf32, #tpu.memory_space<vmem>>, %arg8: memref<80xi32, #tpu.memory_space<vmem>>, %arg9: memref<80x256xf32, #tpu.memory_space<vmem>>, %arg10: memref<!tpu.dma_semaphore, #tpu.memory_space<semaphore_mem>>) attributes {dimension_semantics = [#tpu.dimension_semantics<core_parallel>, #tpu.dimension_semantics<subcore_parallel>], iteration_bounds = array<i64: 2, 16>, scalar_prefetch = 0 : i64, scratch_operands = 5 : i64, tpu.core_type = #tpu.core_type<sc_vector_subcore>, window_params = [{transform_indices = #map}, {transform_indices = #map1}, {transform_indices = #map}, {transform_indices = #map}]} {
    %mul3A = arith.constant 2 : i32
    %mul3A_0 = arith.muli %arg1, %mul3A : i32
    %add3A = arith.addi %mul3A_0, %arg0 : i32
    %mul3A_1 = arith.constant 10000 : i32
    %mul3A_2 = arith.muli %add3A, %mul3A_1 : i32
    %scan3A = arith.constant 0 : i32
    %scan3A_3 = arith.constant 125 : i32
    %scan3A_4 = arith.addi %scan3A, %scan3A_3 : i32
    %scan3A_5 = arith.constant 1 : i32
    scf.for %scan3A_7 = %scan3A to %scan3A_4 step %scan3A_5  : i32 {
      %mul3A_8 = arith.constant 1 : i32
      %mul3A_9 = arith.muli %scan3A_7, %mul3A_8 : i32
      %add3A_10 = arith.constant 0 : i32
      %add3A_11 = arith.addi %add3A_10, %mul3A_9 : i32
      %mul3A_12 = arith.constant 80 : i32
      %mul3A_13 = arith.muli %add3A_11, %mul3A_12 : i32
      %add3A_14 = arith.addi %mul3A_2, %mul3A_13 : i32
      "tpu.region"() ({
        %run_scoped3A = tpu.sem_alloc : memref<!tpu.dma_semaphore, #tpu.memory_space<semaphore_mem>>
        %dma_start3A_27 = tpu.memref_slice %arg3[%add3A_14] : memref<640000xi32, #tpu.memory_space<hbm>> -> memref<80xi32, #tpu.memory_space<hbm>>
        %dma_start3A_28 = tpu.memref_slice %arg3[%add3A_14] : memref<640000xi32, #tpu.memory_space<hbm>> -> memref<80xi32, #tpu.memory_space<hbm>>
        tpu.enqueue_dma source(%dma_start3A_28 : memref<80xi32, #tpu.memory_space<hbm>>) target(%arg6 : memref<80xi32, #tpu.memory_space<vmem>>) target_semaphore(%run_scoped3A : memref<!tpu.dma_semaphore, #tpu.memory_space<semaphore_mem>>)
        %dma_wait3A_29 = tpu.memref_slice %arg3[%add3A_14] : memref<640000xi32, #tpu.memory_space<hbm>> -> memref<80xi32, #tpu.memory_space<hbm>>
        %dma_wait3A_30 = tpu.memref_slice %arg3[%add3A_14] : memref<640000xi32, #tpu.memory_space<hbm>> -> memref<80xi32, #tpu.memory_space<hbm>>
        tpu.wait_dma2 semaphore(%run_scoped3A : memref<!tpu.dma_semaphore, #tpu.memory_space<semaphore_mem>>) src(%dma_wait3A_30 : memref<80xi32, #tpu.memory_space<hbm>>) dst(%arg6 : memref<80xi32, #tpu.memory_space<vmem>>)
        tpu.yield
      }) : () -> ()
      %add3A_15 = arith.constant 320000 : i32
      %add3A_16 = arith.addi %add3A_15, %add3A_14 : i32
      "tpu.region"() ({
        %run_scoped3A = tpu.sem_alloc : memref<!tpu.dma_semaphore, #tpu.memory_space<semaphore_mem>>
        %dma_start3A_27 = tpu.memref_slice %arg3[%add3A_16] : memref<640000xi32, #tpu.memory_space<hbm>> -> memref<80xi32, #tpu.memory_space<hbm>>
        %dma_start3A_28 = tpu.memref_slice %arg3[%add3A_16] : memref<640000xi32, #tpu.memory_space<hbm>> -> memref<80xi32, #tpu.memory_space<hbm>>
        tpu.enqueue_dma source(%dma_start3A_28 : memref<80xi32, #tpu.memory_space<hbm>>) target(%arg8 : memref<80xi32, #tpu.memory_space<vmem>>) target_semaphore(%run_scoped3A : memref<!tpu.dma_semaphore, #tpu.memory_space<semaphore_mem>>)
        %dma_wait3A_29 = tpu.memref_slice %arg3[%add3A_16] : memref<640000xi32, #tpu.memory_space<hbm>> -> memref<80xi32, #tpu.memory_space<hbm>>
        %dma_wait3A_30 = tpu.memref_slice %arg3[%add3A_16] : memref<640000xi32, #tpu.memory_space<hbm>> -> memref<80xi32, #tpu.memory_space<hbm>>
        tpu.wait_dma2 semaphore(%run_scoped3A : memref<!tpu.dma_semaphore, #tpu.memory_space<semaphore_mem>>) src(%dma_wait3A_30 : memref<80xi32, #tpu.memory_space<hbm>>) dst(%arg8 : memref<80xi32, #tpu.memory_space<vmem>>)
        tpu.yield
      }) : () -> ()
      %dma_start3A = arith.constant 0 : i32
      %dma_start3A_17 = arith.constant 0 : i32
      %dma_start3A_18 = tpu.memref_slice %arg2[%dma_start3A, %dma_start3A_17] : memref<10000x256xf32, #tpu.memory_space<hbm>> -> memref<10000x256xf32, #tpu.memory_space<hbm>>
      tpu.enqueue_indirect_dma source(%dma_start3A_18 : memref<10000x256xf32, #tpu.memory_space<hbm>>) target(%arg7 : memref<80x256xf32, #tpu.memory_space<vmem>>) offsets(%arg6 : memref<80xi32, #tpu.memory_space<vmem>>) semaphore(%arg10 : memref<!tpu.dma_semaphore, #tpu.memory_space<semaphore_mem>>)
      %dma_wait3A = arith.constant 0 : i32
      %dma_wait3A_19 = arith.constant 0 : i32
      %dma_wait3A_20 = tpu.memref_slice %arg2[%dma_wait3A, %dma_wait3A_19] : memref<10000x256xf32, #tpu.memory_space<hbm>> -> memref<10000x256xf32, #tpu.memory_space<hbm>>
      tpu.wait_indirect_dma semaphore(%arg10 : memref<!tpu.dma_semaphore, #tpu.memory_space<semaphore_mem>>) src(%dma_wait3A_20 : memref<10000x256xf32, #tpu.memory_space<hbm>>) dst(%arg7 : memref<80x256xf32, #tpu.memory_space<vmem>>)
      "tpu.region"() ({
        %run_scoped3A = tpu.sem_alloc : memref<!tpu.dma_semaphore, #tpu.memory_space<semaphore_mem>>
        %dma_start3A_27 = arith.constant 0 : i32
        %dma_start3A_28 = tpu.memref_slice %arg4[%add3A_14, %dma_start3A_27] : memref<320000x256xf32, #tpu.memory_space<hbm>> -> memref<80x256xf32, #tpu.memory_space<hbm>>
        %dma_start3A_29 = arith.constant 0 : i32
        %dma_start3A_30 = tpu.memref_slice %arg4[%add3A_14, %dma_start3A_29] : memref<320000x256xf32, #tpu.memory_space<hbm>> -> memref<80x256xf32, #tpu.memory_space<hbm>>
        tpu.enqueue_dma source(%arg7 : memref<80x256xf32, #tpu.memory_space<vmem>>) target(%dma_start3A_30 : memref<80x256xf32, #tpu.memory_space<hbm>>) target_semaphore(%run_scoped3A : memref<!tpu.dma_semaphore, #tpu.memory_space<semaphore_mem>>)
        %dma_wait3A_31 = arith.constant 0 : i32
        %dma_wait3A_32 = tpu.memref_slice %arg4[%add3A_14, %dma_wait3A_31] : memref<320000x256xf32, #tpu.memory_space<hbm>> -> memref<80x256xf32, #tpu.memory_space<hbm>>
        %dma_wait3A_33 = arith.constant 0 : i32
        %dma_wait3A_34 = tpu.memref_slice %arg4[%add3A_14, %dma_wait3A_33] : memref<320000x256xf32, #tpu.memory_space<hbm>> -> memref<80x256xf32, #tpu.memory_space<hbm>>
        tpu.wait_dma2 semaphore(%run_scoped3A : memref<!tpu.dma_semaphore, #tpu.memory_space<semaphore_mem>>) src(%arg7 : memref<80x256xf32, #tpu.memory_space<vmem>>) dst(%dma_wait3A_34 : memref<80x256xf32, #tpu.memory_space<hbm>>)
        tpu.yield
      }) : () -> ()
      %dma_start3A_21 = arith.constant 0 : i32
      %dma_start3A_22 = arith.constant 0 : i32
      %dma_start3A_23 = tpu.memref_slice %arg2[%dma_start3A_21, %dma_start3A_22] : memref<10000x256xf32, #tpu.memory_space<hbm>> -> memref<10000x256xf32, #tpu.memory_space<hbm>>
      tpu.enqueue_indirect_dma source(%dma_start3A_23 : memref<10000x256xf32, #tpu.memory_space<hbm>>) target(%arg9 : memref<80x256xf32, #tpu.memory_space<vmem>>) offsets(%arg8 : memref<80xi32, #tpu.memory_space<vmem>>) semaphore(%arg10 : memref<!tpu.dma_semaphore, #tpu.memory_space<semaphore_mem>>)
      %dma_wait3A_24 = arith.constant 0 : i32
      %dma_wait3A_25 = arith.constant 0 : i32
      %dma_wait3A_26 = tpu.memref_slice %arg2[%dma_wait3A_24, %dma_wait3A_25] : memref<10000x256xf32, #tpu.memory_space<hbm>> -> memref<10000x256xf32, #tpu.memory_space<hbm>>
      tpu.wait_indirect_dma semaphore(%arg10 : memref<!tpu.dma_semaphore, #tpu.memory_space<semaphore_mem>>) src(%dma_wait3A_26 : memref<10000x256xf32, #tpu.memory_space<hbm>>) dst(%arg9 : memref<80x256xf32, #tpu.memory_space<vmem>>)
      "tpu.region"() ({
        %run_scoped3A = tpu.sem_alloc : memref<!tpu.dma_semaphore, #tpu.memory_space<semaphore_mem>>
        %dma_start3A_27 = arith.constant 0 : i32
        %dma_start3A_28 = tpu.memref_slice %arg5[%add3A_14, %dma_start3A_27] : memref<320000x256xf32, #tpu.memory_space<hbm>> -> memref<80x256xf32, #tpu.memory_space<hbm>>
        %dma_start3A_29 = arith.constant 0 : i32
        %dma_start3A_30 = tpu.memref_slice %arg5[%add3A_14, %dma_start3A_29] : memref<320000x256xf32, #tpu.memory_space<hbm>> -> memref<80x256xf32, #tpu.memory_space<hbm>>
        tpu.enqueue_dma source(%arg9 : memref<80x256xf32, #tpu.memory_space<vmem>>) target(%dma_start3A_30 : memref<80x256xf32, #tpu.memory_space<hbm>>) target_semaphore(%run_scoped3A : memref<!tpu.dma_semaphore, #tpu.memory_space<semaphore_mem>>)
        %dma_wait3A_31 = arith.constant 0 : i32
        %dma_wait3A_32 = tpu.memref_slice %arg5[%add3A_14, %dma_wait3A_31] : memref<320000x256xf32, #tpu.memory_space<hbm>> -> memref<80x256xf32, #tpu.memory_space<hbm>>
        %dma_wait3A_33 = arith.constant 0 : i32
        %dma_wait3A_34 = tpu.memref_slice %arg5[%add3A_14, %dma_wait3A_33] : memref<320000x256xf32, #tpu.memory_space<hbm>> -> memref<80x256xf32, #tpu.memory_space<hbm>>
        tpu.wait_dma2 semaphore(%run_scoped3A : memref<!tpu.dma_semaphore, #tpu.memory_space<semaphore_mem>>) src(%arg9 : memref<80x256xf32, #tpu.memory_space<vmem>>) dst(%dma_wait3A_34 : memref<80x256xf32, #tpu.memory_space<hbm>>)
        tpu.yield
      }) : () -> ()
    }
    %scan3A_6 = arith.constant 125 : i32
    return
  }
}

#map = affine_map<(d0, d1) -> (0, 0)>
#map1 = affine_map<(d0, d1) -> (0, 0, 0)>
module attributes {stable_mosaic.version = 14 : i64} {
  func.func @k(%arg0: i32, %arg1: i32, %arg2: memref<320000x128xf32, #tpu.memory_space<hbm>>, %arg3: memref<320000x128xf32, #tpu.memory_space<hbm>>, %arg4: memref<320000x128xf32, #tpu.memory_space<hbm>>, %arg5: memref<320000x128xf32, #tpu.memory_space<hbm>>, %arg6: memref<32x125x80xi32, #tpu.memory_space<hbm>>, %arg7: memref<10240x128xf32, #tpu.memory_space<hbm>>, %arg8: memref<2x10240x128xf32, #tpu.memory_space<hbm>>, %arg9: memref<2x10240x128xf32, #tpu.memory_space<hbm>>, %arg10: memref<2x10240x128xf32, #tpu.memory_space<hbm>>, %arg11: memref<2x10240x128xf32, #tpu.memory_space<hbm>>, %arg12: memref<80xi32, #tpu.memory_space<vmem>>, %arg13: memref<80x128xf32, #tpu.memory_space<vmem>>, %arg14: memref<10240x128xf32, #tpu.memory_space<vmem_shared>>, %arg15: memref<!tpu.dma_semaphore, #tpu.memory_space<semaphore_mem>>) attributes {dimension_semantics = [#tpu.dimension_semantics<core_parallel>, #tpu.dimension_semantics<subcore_parallel>], iteration_bounds = array<i64: 2, 16>, scalar_prefetch = 0 : i64, scratch_operands = 4 : i64, tpu.core_type = #tpu.core_type<sc_vector_subcore>, window_params = [{transform_indices = #map}, {transform_indices = #map}, {transform_indices = #map}, {transform_indices = #map}, {transform_indices = #map1}, {transform_indices = #map}, {transform_indices = #map1}, {transform_indices = #map1}, {transform_indices = #map1}, {transform_indices = #map1}]} {
    %mul3A = arith.constant 2 : i32
    %mul3A_0 = arith.muli %arg1, %mul3A : i32
    %add3A = arith.addi %mul3A_0, %arg0 : i32
    %mul3A_1 = arith.constant 10000 : i32
    %mul3A_2 = arith.muli %add3A, %mul3A_1 : i32
    %eq3A = arith.constant 0 : i32
    %eq3A_3 = arith.cmpi eq, %arg1, %eq3A : i32
    %convert_element_type3A = arith.extui %eq3A_3 : i1 to i32
    %cond3A = arith.constant 0 : i32
    %cond3A_4 = arith.cmpi ne, %convert_element_type3A, %cond3A : i32
    scf.if %cond3A_4 {
      "tpu.region"() ({
        %run_scoped3A = tpu.sem_alloc : memref<!tpu.dma_semaphore, #tpu.memory_space<semaphore_mem>>
        tpu.enqueue_dma source(%arg7 : memref<10240x128xf32, #tpu.memory_space<hbm>>) target(%arg14 : memref<10240x128xf32, #tpu.memory_space<vmem_shared>>) target_semaphore(%run_scoped3A : memref<!tpu.dma_semaphore, #tpu.memory_space<semaphore_mem>>)
        tpu.wait_dma2 semaphore(%run_scoped3A : memref<!tpu.dma_semaphore, #tpu.memory_space<semaphore_mem>>) src(%arg7 : memref<10240x128xf32, #tpu.memory_space<hbm>>) dst(%arg14 : memref<10240x128xf32, #tpu.memory_space<vmem_shared>>)
        tpu.yield
      }) : () -> ()
    } else {
    }
    %barrier3A = arith.constant 0 : index
    tpu.barrier barrier_id(%barrier3A)
    %scan3A = arith.constant 0 : i32
    %scan3A_5 = arith.constant 125 : i32
    %scan3A_6 = arith.addi %scan3A, %scan3A_5 : i32
    %scan3A_7 = arith.constant 1 : i32
    scf.for %scan3A_66 = %scan3A to %scan3A_6 step %scan3A_7  : i32 {
      %mul3A_67 = arith.constant 1 : i32
      %mul3A_68 = arith.muli %scan3A_66, %mul3A_67 : i32
      %add3A_69 = arith.constant 0 : i32
      %add3A_70 = arith.addi %add3A_69, %mul3A_68 : i32
      %mul3A_71 = arith.constant 80 : i32
      %mul3A_72 = arith.muli %add3A_70, %mul3A_71 : i32
      %add3A_73 = arith.addi %mul3A_2, %mul3A_72 : i32
      "tpu.region"() ({
        %run_scoped3A = tpu.sem_alloc : memref<!tpu.dma_semaphore, #tpu.memory_space<semaphore_mem>>
        %dma_start3A = arith.constant 0 : i32
        %dma_start3A_74 = tpu.memref_slice %arg6[%add3A, %add3A_70, %dma_start3A] : memref<32x125x80xi32, #tpu.memory_space<hbm>> -> memref<1x1x80xi32, #tpu.memory_space<hbm>>
        %dma_start3A_75 = tpu.memref_squeeze %dma_start3A_74 : memref<1x1x80xi32, #tpu.memory_space<hbm>> -> memref<80xi32, #tpu.memory_space<hbm>>
        %dma_start3A_76 = arith.constant 0 : i32
        %dma_start3A_77 = tpu.memref_slice %arg6[%add3A, %add3A_70, %dma_start3A_76] : memref<32x125x80xi32, #tpu.memory_space<hbm>> -> memref<1x1x80xi32, #tpu.memory_space<hbm>>
        %dma_start3A_78 = tpu.memref_squeeze %dma_start3A_77 : memref<1x1x80xi32, #tpu.memory_space<hbm>> -> memref<80xi32, #tpu.memory_space<hbm>>
        tpu.enqueue_dma source(%dma_start3A_78 : memref<80xi32, #tpu.memory_space<hbm>>) target(%arg12 : memref<80xi32, #tpu.memory_space<vmem>>) target_semaphore(%run_scoped3A : memref<!tpu.dma_semaphore, #tpu.memory_space<semaphore_mem>>)
        %dma_wait3A = arith.constant 0 : i32
        %dma_wait3A_79 = tpu.memref_slice %arg6[%add3A, %add3A_70, %dma_wait3A] : memref<32x125x80xi32, #tpu.memory_space<hbm>> -> memref<1x1x80xi32, #tpu.memory_space<hbm>>
        %dma_wait3A_80 = tpu.memref_squeeze %dma_wait3A_79 : memref<1x1x80xi32, #tpu.memory_space<hbm>> -> memref<80xi32, #tpu.memory_space<hbm>>
        %dma_wait3A_81 = arith.constant 0 : i32
        %dma_wait3A_82 = tpu.memref_slice %arg6[%add3A, %add3A_70, %dma_wait3A_81] : memref<32x125x80xi32, #tpu.memory_space<hbm>> -> memref<1x1x80xi32, #tpu.memory_space<hbm>>
        %dma_wait3A_83 = tpu.memref_squeeze %dma_wait3A_82 : memref<1x1x80xi32, #tpu.memory_space<hbm>> -> memref<80xi32, #tpu.memory_space<hbm>>
        tpu.wait_dma2 semaphore(%run_scoped3A : memref<!tpu.dma_semaphore, #tpu.memory_space<semaphore_mem>>) src(%dma_wait3A_83 : memref<80xi32, #tpu.memory_space<hbm>>) dst(%arg12 : memref<80xi32, #tpu.memory_space<vmem>>)
        tpu.yield
      }) : () -> ()
      "tpu.region"() ({
        %run_scoped3A = tpu.sem_alloc : memref<!tpu.dma_semaphore, #tpu.memory_space<semaphore_mem>>
        %dma_start3A = arith.constant 0 : i32
        %dma_start3A_74 = tpu.memref_slice %arg2[%add3A_73, %dma_start3A] : memref<320000x128xf32, #tpu.memory_space<hbm>> -> memref<80x128xf32, #tpu.memory_space<hbm>>
        %dma_start3A_75 = arith.constant 0 : i32
        %dma_start3A_76 = tpu.memref_slice %arg2[%add3A_73, %dma_start3A_75] : memref<320000x128xf32, #tpu.memory_space<hbm>> -> memref<80x128xf32, #tpu.memory_space<hbm>>
        tpu.enqueue_dma source(%dma_start3A_76 : memref<80x128xf32, #tpu.memory_space<hbm>>) target(%arg13 : memref<80x128xf32, #tpu.memory_space<vmem>>) target_semaphore(%run_scoped3A : memref<!tpu.dma_semaphore, #tpu.memory_space<semaphore_mem>>)
        %dma_wait3A = arith.constant 0 : i32
        %dma_wait3A_77 = tpu.memref_slice %arg2[%add3A_73, %dma_wait3A] : memref<320000x128xf32, #tpu.memory_space<hbm>> -> memref<80x128xf32, #tpu.memory_space<hbm>>
        %dma_wait3A_78 = arith.constant 0 : i32
        %dma_wait3A_79 = tpu.memref_slice %arg2[%add3A_73, %dma_wait3A_78] : memref<320000x128xf32, #tpu.memory_space<hbm>> -> memref<80x128xf32, #tpu.memory_space<hbm>>
        tpu.wait_dma2 semaphore(%run_scoped3A : memref<!tpu.dma_semaphore, #tpu.memory_space<semaphore_mem>>) src(%dma_wait3A_79 : memref<80x128xf32, #tpu.memory_space<hbm>>) dst(%arg13 : memref<80x128xf32, #tpu.memory_space<vmem>>)
        tpu.yield
      }) : () -> ()
      "tpu.region"() ({
        %run_scoped3A = tpu.sem_alloc : memref<!tpu.dma_semaphore, #tpu.memory_space<semaphore_mem>>
        %dma_start3A = arith.constant 0 : i32
        %dma_start3A_74 = arith.constant 0 : i32
        %dma_start3A_75 = tpu.memref_slice %arg14[%dma_start3A, %dma_start3A_74] : memref<10240x128xf32, #tpu.memory_space<vmem_shared>> -> memref<10240x128xf32, #tpu.memory_space<vmem_shared>>
        tpu.enqueue_indirect_dma source(%arg13 : memref<80x128xf32, #tpu.memory_space<vmem>>) target(%dma_start3A_75 : memref<10240x128xf32, #tpu.memory_space<vmem_shared>>) offsets(%arg12 : memref<80xi32, #tpu.memory_space<vmem>>) semaphore(%run_scoped3A : memref<!tpu.dma_semaphore, #tpu.memory_space<semaphore_mem>>) {add = true}
        %dma_wait3A = arith.constant 0 : i32
        %dma_wait3A_76 = arith.constant 0 : i32
        %dma_wait3A_77 = tpu.memref_slice %arg14[%dma_wait3A, %dma_wait3A_76] : memref<10240x128xf32, #tpu.memory_space<vmem_shared>> -> memref<10240x128xf32, #tpu.memory_space<vmem_shared>>
        tpu.wait_indirect_dma semaphore(%run_scoped3A : memref<!tpu.dma_semaphore, #tpu.memory_space<semaphore_mem>>) src(%arg13 : memref<80x128xf32, #tpu.memory_space<vmem>>) dst(%dma_wait3A_77 : memref<10240x128xf32, #tpu.memory_space<vmem_shared>>)
        tpu.yield
      }) : () -> ()
    }
    %scan3A_8 = arith.constant 125 : i32
    %barrier3A_9 = arith.constant 0 : index
    tpu.barrier barrier_id(%barrier3A_9)
    %mul3A_10 = arith.constant 640 : i32
    %mul3A_11 = arith.muli %arg1, %mul3A_10 : i32
    %mul3A_12 = arith.constant 640 : i32
    %mul3A_13 = arith.muli %arg1, %mul3A_12 : i32
    "tpu.region"() ({
      %run_scoped3A = tpu.sem_alloc : memref<!tpu.dma_semaphore, #tpu.memory_space<semaphore_mem>>
      %dma_start3A = arith.constant 0 : i32
      %dma_start3A_66 = tpu.memref_slice %arg8[%arg0, %mul3A_13, %dma_start3A] : memref<2x10240x128xf32, #tpu.memory_space<hbm>> -> memref<1x640x128xf32, #tpu.memory_space<hbm>>
      %dma_start3A_67 = tpu.memref_squeeze %dma_start3A_66 : memref<1x640x128xf32, #tpu.memory_space<hbm>> -> memref<640x128xf32, #tpu.memory_space<hbm>>
      %dma_start3A_68 = arith.constant 0 : i32
      %dma_start3A_69 = tpu.memref_slice %arg14[%mul3A_11, %dma_start3A_68] : memref<10240x128xf32, #tpu.memory_space<vmem_shared>> -> memref<640x128xf32, #tpu.memory_space<vmem_shared>>
      tpu.enqueue_dma source(%dma_start3A_69 : memref<640x128xf32, #tpu.memory_space<vmem_shared>>) target(%dma_start3A_67 : memref<640x128xf32, #tpu.memory_space<hbm>>) target_semaphore(%run_scoped3A : memref<!tpu.dma_semaphore, #tpu.memory_space<semaphore_mem>>)
      %dma_wait3A = arith.constant 0 : i32
      %dma_wait3A_70 = tpu.memref_slice %arg8[%arg0, %mul3A_13, %dma_wait3A] : memref<2x10240x128xf32, #tpu.memory_space<hbm>> -> memref<1x640x128xf32, #tpu.memory_space<hbm>>
      %dma_wait3A_71 = tpu.memref_squeeze %dma_wait3A_70 : memref<1x640x128xf32, #tpu.memory_space<hbm>> -> memref<640x128xf32, #tpu.memory_space<hbm>>
      %dma_wait3A_72 = arith.constant 0 : i32
      %dma_wait3A_73 = tpu.memref_slice %arg14[%mul3A_11, %dma_wait3A_72] : memref<10240x128xf32, #tpu.memory_space<vmem_shared>> -> memref<640x128xf32, #tpu.memory_space<vmem_shared>>
      tpu.wait_dma2 semaphore(%run_scoped3A : memref<!tpu.dma_semaphore, #tpu.memory_space<semaphore_mem>>) src(%dma_wait3A_73 : memref<640x128xf32, #tpu.memory_space<vmem_shared>>) dst(%dma_wait3A_71 : memref<640x128xf32, #tpu.memory_space<hbm>>)
      tpu.yield
    }) : () -> ()
    %barrier3A_14 = arith.constant 0 : index
    tpu.barrier barrier_id(%barrier3A_14)
    %eq3A_15 = arith.constant 0 : i32
    %eq3A_16 = arith.cmpi eq, %arg1, %eq3A_15 : i32
    %convert_element_type3A_17 = arith.extui %eq3A_16 : i1 to i32
    %cond3A_18 = arith.constant 0 : i32
    %cond3A_19 = arith.cmpi ne, %convert_element_type3A_17, %cond3A_18 : i32
    scf.if %cond3A_19 {
      "tpu.region"() ({
        %run_scoped3A = tpu.sem_alloc : memref<!tpu.dma_semaphore, #tpu.memory_space<semaphore_mem>>
        tpu.enqueue_dma source(%arg7 : memref<10240x128xf32, #tpu.memory_space<hbm>>) target(%arg14 : memref<10240x128xf32, #tpu.memory_space<vmem_shared>>) target_semaphore(%run_scoped3A : memref<!tpu.dma_semaphore, #tpu.memory_space<semaphore_mem>>)
        tpu.wait_dma2 semaphore(%run_scoped3A : memref<!tpu.dma_semaphore, #tpu.memory_space<semaphore_mem>>) src(%arg7 : memref<10240x128xf32, #tpu.memory_space<hbm>>) dst(%arg14 : memref<10240x128xf32, #tpu.memory_space<vmem_shared>>)
        tpu.yield
      }) : () -> ()
    } else {
    }
    %barrier3A_20 = arith.constant 0 : index
    tpu.barrier barrier_id(%barrier3A_20)
    %scan3A_21 = arith.constant 0 : i32
    %scan3A_22 = arith.constant 125 : i32
    %scan3A_23 = arith.addi %scan3A_21, %scan3A_22 : i32
    %scan3A_24 = arith.constant 1 : i32
    scf.for %scan3A_66 = %scan3A_21 to %scan3A_23 step %scan3A_24  : i32 {
      %mul3A_67 = arith.constant 1 : i32
      %mul3A_68 = arith.muli %scan3A_66, %mul3A_67 : i32
      %add3A_69 = arith.constant 0 : i32
      %add3A_70 = arith.addi %add3A_69, %mul3A_68 : i32
      %mul3A_71 = arith.constant 80 : i32
      %mul3A_72 = arith.muli %add3A_70, %mul3A_71 : i32
      %add3A_73 = arith.addi %mul3A_2, %mul3A_72 : i32
      "tpu.region"() ({
        %run_scoped3A = tpu.sem_alloc : memref<!tpu.dma_semaphore, #tpu.memory_space<semaphore_mem>>
        %dma_start3A = arith.constant 0 : i32
        %dma_start3A_74 = tpu.memref_slice %arg6[%add3A, %add3A_70, %dma_start3A] : memref<32x125x80xi32, #tpu.memory_space<hbm>> -> memref<1x1x80xi32, #tpu.memory_space<hbm>>
        %dma_start3A_75 = tpu.memref_squeeze %dma_start3A_74 : memref<1x1x80xi32, #tpu.memory_space<hbm>> -> memref<80xi32, #tpu.memory_space<hbm>>
        %dma_start3A_76 = arith.constant 0 : i32
        %dma_start3A_77 = tpu.memref_slice %arg6[%add3A, %add3A_70, %dma_start3A_76] : memref<32x125x80xi32, #tpu.memory_space<hbm>> -> memref<1x1x80xi32, #tpu.memory_space<hbm>>
        %dma_start3A_78 = tpu.memref_squeeze %dma_start3A_77 : memref<1x1x80xi32, #tpu.memory_space<hbm>> -> memref<80xi32, #tpu.memory_space<hbm>>
        tpu.enqueue_dma source(%dma_start3A_78 : memref<80xi32, #tpu.memory_space<hbm>>) target(%arg12 : memref<80xi32, #tpu.memory_space<vmem>>) target_semaphore(%run_scoped3A : memref<!tpu.dma_semaphore, #tpu.memory_space<semaphore_mem>>)
        %dma_wait3A = arith.constant 0 : i32
        %dma_wait3A_79 = tpu.memref_slice %arg6[%add3A, %add3A_70, %dma_wait3A] : memref<32x125x80xi32, #tpu.memory_space<hbm>> -> memref<1x1x80xi32, #tpu.memory_space<hbm>>
        %dma_wait3A_80 = tpu.memref_squeeze %dma_wait3A_79 : memref<1x1x80xi32, #tpu.memory_space<hbm>> -> memref<80xi32, #tpu.memory_space<hbm>>
        %dma_wait3A_81 = arith.constant 0 : i32
        %dma_wait3A_82 = tpu.memref_slice %arg6[%add3A, %add3A_70, %dma_wait3A_81] : memref<32x125x80xi32, #tpu.memory_space<hbm>> -> memref<1x1x80xi32, #tpu.memory_space<hbm>>
        %dma_wait3A_83 = tpu.memref_squeeze %dma_wait3A_82 : memref<1x1x80xi32, #tpu.memory_space<hbm>> -> memref<80xi32, #tpu.memory_space<hbm>>
        tpu.wait_dma2 semaphore(%run_scoped3A : memref<!tpu.dma_semaphore, #tpu.memory_space<semaphore_mem>>) src(%dma_wait3A_83 : memref<80xi32, #tpu.memory_space<hbm>>) dst(%arg12 : memref<80xi32, #tpu.memory_space<vmem>>)
        tpu.yield
      }) : () -> ()
      "tpu.region"() ({
        %run_scoped3A = tpu.sem_alloc : memref<!tpu.dma_semaphore, #tpu.memory_space<semaphore_mem>>
        %dma_start3A = arith.constant 0 : i32
        %dma_start3A_74 = tpu.memref_slice %arg3[%add3A_73, %dma_start3A] : memref<320000x128xf32, #tpu.memory_space<hbm>> -> memref<80x128xf32, #tpu.memory_space<hbm>>
        %dma_start3A_75 = arith.constant 0 : i32
        %dma_start3A_76 = tpu.memref_slice %arg3[%add3A_73, %dma_start3A_75] : memref<320000x128xf32, #tpu.memory_space<hbm>> -> memref<80x128xf32, #tpu.memory_space<hbm>>
        tpu.enqueue_dma source(%dma_start3A_76 : memref<80x128xf32, #tpu.memory_space<hbm>>) target(%arg13 : memref<80x128xf32, #tpu.memory_space<vmem>>) target_semaphore(%run_scoped3A : memref<!tpu.dma_semaphore, #tpu.memory_space<semaphore_mem>>)
        %dma_wait3A = arith.constant 0 : i32
        %dma_wait3A_77 = tpu.memref_slice %arg3[%add3A_73, %dma_wait3A] : memref<320000x128xf32, #tpu.memory_space<hbm>> -> memref<80x128xf32, #tpu.memory_space<hbm>>
        %dma_wait3A_78 = arith.constant 0 : i32
        %dma_wait3A_79 = tpu.memref_slice %arg3[%add3A_73, %dma_wait3A_78] : memref<320000x128xf32, #tpu.memory_space<hbm>> -> memref<80x128xf32, #tpu.memory_space<hbm>>
        tpu.wait_dma2 semaphore(%run_scoped3A : memref<!tpu.dma_semaphore, #tpu.memory_space<semaphore_mem>>) src(%dma_wait3A_79 : memref<80x128xf32, #tpu.memory_space<hbm>>) dst(%arg13 : memref<80x128xf32, #tpu.memory_space<vmem>>)
        tpu.yield
      }) : () -> ()
      "tpu.region"() ({
        %run_scoped3A = tpu.sem_alloc : memref<!tpu.dma_semaphore, #tpu.memory_space<semaphore_mem>>
        %dma_start3A = arith.constant 0 : i32
        %dma_start3A_74 = arith.constant 0 : i32
        %dma_start3A_75 = tpu.memref_slice %arg14[%dma_start3A, %dma_start3A_74] : memref<10240x128xf32, #tpu.memory_space<vmem_shared>> -> memref<10240x128xf32, #tpu.memory_space<vmem_shared>>
        tpu.enqueue_indirect_dma source(%arg13 : memref<80x128xf32, #tpu.memory_space<vmem>>) target(%dma_start3A_75 : memref<10240x128xf32, #tpu.memory_space<vmem_shared>>) offsets(%arg12 : memref<80xi32, #tpu.memory_space<vmem>>) semaphore(%run_scoped3A : memref<!tpu.dma_semaphore, #tpu.memory_space<semaphore_mem>>) {add = true}
        %dma_wait3A = arith.constant 0 : i32
        %dma_wait3A_76 = arith.constant 0 : i32
        %dma_wait3A_77 = tpu.memref_slice %arg14[%dma_wait3A, %dma_wait3A_76] : memref<10240x128xf32, #tpu.memory_space<vmem_shared>> -> memref<10240x128xf32, #tpu.memory_space<vmem_shared>>
        tpu.wait_indirect_dma semaphore(%run_scoped3A : memref<!tpu.dma_semaphore, #tpu.memory_space<semaphore_mem>>) src(%arg13 : memref<80x128xf32, #tpu.memory_space<vmem>>) dst(%dma_wait3A_77 : memref<10240x128xf32, #tpu.memory_space<vmem_shared>>)
        tpu.yield
      }) : () -> ()
    }
    %scan3A_25 = arith.constant 125 : i32
    %barrier3A_26 = arith.constant 0 : index
    tpu.barrier barrier_id(%barrier3A_26)
    %mul3A_27 = arith.constant 640 : i32
    %mul3A_28 = arith.muli %arg1, %mul3A_27 : i32
    %mul3A_29 = arith.constant 640 : i32
    %mul3A_30 = arith.muli %arg1, %mul3A_29 : i32
    "tpu.region"() ({
      %run_scoped3A = tpu.sem_alloc : memref<!tpu.dma_semaphore, #tpu.memory_space<semaphore_mem>>
      %dma_start3A = arith.constant 0 : i32
      %dma_start3A_66 = tpu.memref_slice %arg9[%arg0, %mul3A_30, %dma_start3A] : memref<2x10240x128xf32, #tpu.memory_space<hbm>> -> memref<1x640x128xf32, #tpu.memory_space<hbm>>
      %dma_start3A_67 = tpu.memref_squeeze %dma_start3A_66 : memref<1x640x128xf32, #tpu.memory_space<hbm>> -> memref<640x128xf32, #tpu.memory_space<hbm>>
      %dma_start3A_68 = arith.constant 0 : i32
      %dma_start3A_69 = tpu.memref_slice %arg14[%mul3A_28, %dma_start3A_68] : memref<10240x128xf32, #tpu.memory_space<vmem_shared>> -> memref<640x128xf32, #tpu.memory_space<vmem_shared>>
      tpu.enqueue_dma source(%dma_start3A_69 : memref<640x128xf32, #tpu.memory_space<vmem_shared>>) target(%dma_start3A_67 : memref<640x128xf32, #tpu.memory_space<hbm>>) target_semaphore(%run_scoped3A : memref<!tpu.dma_semaphore, #tpu.memory_space<semaphore_mem>>)
      %dma_wait3A = arith.constant 0 : i32
      %dma_wait3A_70 = tpu.memref_slice %arg9[%arg0, %mul3A_30, %dma_wait3A] : memref<2x10240x128xf32, #tpu.memory_space<hbm>> -> memref<1x640x128xf32, #tpu.memory_space<hbm>>
      %dma_wait3A_71 = tpu.memref_squeeze %dma_wait3A_70 : memref<1x640x128xf32, #tpu.memory_space<hbm>> -> memref<640x128xf32, #tpu.memory_space<hbm>>
      %dma_wait3A_72 = arith.constant 0 : i32
      %dma_wait3A_73 = tpu.memref_slice %arg14[%mul3A_28, %dma_wait3A_72] : memref<10240x128xf32, #tpu.memory_space<vmem_shared>> -> memref<640x128xf32, #tpu.memory_space<vmem_shared>>
      tpu.wait_dma2 semaphore(%run_scoped3A : memref<!tpu.dma_semaphore, #tpu.memory_space<semaphore_mem>>) src(%dma_wait3A_73 : memref<640x128xf32, #tpu.memory_space<vmem_shared>>) dst(%dma_wait3A_71 : memref<640x128xf32, #tpu.memory_space<hbm>>)
      tpu.yield
    }) : () -> ()
    %barrier3A_31 = arith.constant 0 : index
    tpu.barrier barrier_id(%barrier3A_31)
    %eq3A_32 = arith.constant 0 : i32
    %eq3A_33 = arith.cmpi eq, %arg1, %eq3A_32 : i32
    %convert_element_type3A_34 = arith.extui %eq3A_33 : i1 to i32
    %cond3A_35 = arith.constant 0 : i32
    %cond3A_36 = arith.cmpi ne, %convert_element_type3A_34, %cond3A_35 : i32
    scf.if %cond3A_36 {
      "tpu.region"() ({
        %run_scoped3A = tpu.sem_alloc : memref<!tpu.dma_semaphore, #tpu.memory_space<semaphore_mem>>
        tpu.enqueue_dma source(%arg7 : memref<10240x128xf32, #tpu.memory_space<hbm>>) target(%arg14 : memref<10240x128xf32, #tpu.memory_space<vmem_shared>>) target_semaphore(%run_scoped3A : memref<!tpu.dma_semaphore, #tpu.memory_space<semaphore_mem>>)
        tpu.wait_dma2 semaphore(%run_scoped3A : memref<!tpu.dma_semaphore, #tpu.memory_space<semaphore_mem>>) src(%arg7 : memref<10240x128xf32, #tpu.memory_space<hbm>>) dst(%arg14 : memref<10240x128xf32, #tpu.memory_space<vmem_shared>>)
        tpu.yield
      }) : () -> ()
    } else {
    }
    %barrier3A_37 = arith.constant 0 : index
    tpu.barrier barrier_id(%barrier3A_37)
    %scan3A_38 = arith.constant 0 : i32
    %scan3A_39 = arith.constant 125 : i32
    %scan3A_40 = arith.addi %scan3A_38, %scan3A_39 : i32
    %scan3A_41 = arith.constant 1 : i32
    scf.for %scan3A_66 = %scan3A_38 to %scan3A_40 step %scan3A_41  : i32 {
      %mul3A_67 = arith.constant 1 : i32
      %mul3A_68 = arith.muli %scan3A_66, %mul3A_67 : i32
      %add3A_69 = arith.constant 0 : i32
      %add3A_70 = arith.addi %add3A_69, %mul3A_68 : i32
      %mul3A_71 = arith.constant 80 : i32
      %mul3A_72 = arith.muli %add3A_70, %mul3A_71 : i32
      %add3A_73 = arith.addi %mul3A_2, %mul3A_72 : i32
      "tpu.region"() ({
        %run_scoped3A = tpu.sem_alloc : memref<!tpu.dma_semaphore, #tpu.memory_space<semaphore_mem>>
        %dma_start3A = arith.constant 0 : i32
        %dma_start3A_74 = tpu.memref_slice %arg6[%add3A, %add3A_70, %dma_start3A] : memref<32x125x80xi32, #tpu.memory_space<hbm>> -> memref<1x1x80xi32, #tpu.memory_space<hbm>>
        %dma_start3A_75 = tpu.memref_squeeze %dma_start3A_74 : memref<1x1x80xi32, #tpu.memory_space<hbm>> -> memref<80xi32, #tpu.memory_space<hbm>>
        %dma_start3A_76 = arith.constant 0 : i32
        %dma_start3A_77 = tpu.memref_slice %arg6[%add3A, %add3A_70, %dma_start3A_76] : memref<32x125x80xi32, #tpu.memory_space<hbm>> -> memref<1x1x80xi32, #tpu.memory_space<hbm>>
        %dma_start3A_78 = tpu.memref_squeeze %dma_start3A_77 : memref<1x1x80xi32, #tpu.memory_space<hbm>> -> memref<80xi32, #tpu.memory_space<hbm>>
        tpu.enqueue_dma source(%dma_start3A_78 : memref<80xi32, #tpu.memory_space<hbm>>) target(%arg12 : memref<80xi32, #tpu.memory_space<vmem>>) target_semaphore(%run_scoped3A : memref<!tpu.dma_semaphore, #tpu.memory_space<semaphore_mem>>)
        %dma_wait3A = arith.constant 0 : i32
        %dma_wait3A_79 = tpu.memref_slice %arg6[%add3A, %add3A_70, %dma_wait3A] : memref<32x125x80xi32, #tpu.memory_space<hbm>> -> memref<1x1x80xi32, #tpu.memory_space<hbm>>
        %dma_wait3A_80 = tpu.memref_squeeze %dma_wait3A_79 : memref<1x1x80xi32, #tpu.memory_space<hbm>> -> memref<80xi32, #tpu.memory_space<hbm>>
        %dma_wait3A_81 = arith.constant 0 : i32
        %dma_wait3A_82 = tpu.memref_slice %arg6[%add3A, %add3A_70, %dma_wait3A_81] : memref<32x125x80xi32, #tpu.memory_space<hbm>> -> memref<1x1x80xi32, #tpu.memory_space<hbm>>
        %dma_wait3A_83 = tpu.memref_squeeze %dma_wait3A_82 : memref<1x1x80xi32, #tpu.memory_space<hbm>> -> memref<80xi32, #tpu.memory_space<hbm>>
        tpu.wait_dma2 semaphore(%run_scoped3A : memref<!tpu.dma_semaphore, #tpu.memory_space<semaphore_mem>>) src(%dma_wait3A_83 : memref<80xi32, #tpu.memory_space<hbm>>) dst(%arg12 : memref<80xi32, #tpu.memory_space<vmem>>)
        tpu.yield
      }) : () -> ()
      "tpu.region"() ({
        %run_scoped3A = tpu.sem_alloc : memref<!tpu.dma_semaphore, #tpu.memory_space<semaphore_mem>>
        %dma_start3A = arith.constant 0 : i32
        %dma_start3A_74 = tpu.memref_slice %arg4[%add3A_73, %dma_start3A] : memref<320000x128xf32, #tpu.memory_space<hbm>> -> memref<80x128xf32, #tpu.memory_space<hbm>>
        %dma_start3A_75 = arith.constant 0 : i32
        %dma_start3A_76 = tpu.memref_slice %arg4[%add3A_73, %dma_start3A_75] : memref<320000x128xf32, #tpu.memory_space<hbm>> -> memref<80x128xf32, #tpu.memory_space<hbm>>
        tpu.enqueue_dma source(%dma_start3A_76 : memref<80x128xf32, #tpu.memory_space<hbm>>) target(%arg13 : memref<80x128xf32, #tpu.memory_space<vmem>>) target_semaphore(%run_scoped3A : memref<!tpu.dma_semaphore, #tpu.memory_space<semaphore_mem>>)
        %dma_wait3A = arith.constant 0 : i32
        %dma_wait3A_77 = tpu.memref_slice %arg4[%add3A_73, %dma_wait3A] : memref<320000x128xf32, #tpu.memory_space<hbm>> -> memref<80x128xf32, #tpu.memory_space<hbm>>
        %dma_wait3A_78 = arith.constant 0 : i32
        %dma_wait3A_79 = tpu.memref_slice %arg4[%add3A_73, %dma_wait3A_78] : memref<320000x128xf32, #tpu.memory_space<hbm>> -> memref<80x128xf32, #tpu.memory_space<hbm>>
        tpu.wait_dma2 semaphore(%run_scoped3A : memref<!tpu.dma_semaphore, #tpu.memory_space<semaphore_mem>>) src(%dma_wait3A_79 : memref<80x128xf32, #tpu.memory_space<hbm>>) dst(%arg13 : memref<80x128xf32, #tpu.memory_space<vmem>>)
        tpu.yield
      }) : () -> ()
      "tpu.region"() ({
        %run_scoped3A = tpu.sem_alloc : memref<!tpu.dma_semaphore, #tpu.memory_space<semaphore_mem>>
        %dma_start3A = arith.constant 0 : i32
        %dma_start3A_74 = arith.constant 0 : i32
        %dma_start3A_75 = tpu.memref_slice %arg14[%dma_start3A, %dma_start3A_74] : memref<10240x128xf32, #tpu.memory_space<vmem_shared>> -> memref<10240x128xf32, #tpu.memory_space<vmem_shared>>
        tpu.enqueue_indirect_dma source(%arg13 : memref<80x128xf32, #tpu.memory_space<vmem>>) target(%dma_start3A_75 : memref<10240x128xf32, #tpu.memory_space<vmem_shared>>) offsets(%arg12 : memref<80xi32, #tpu.memory_space<vmem>>) semaphore(%run_scoped3A : memref<!tpu.dma_semaphore, #tpu.memory_space<semaphore_mem>>) {add = true}
        %dma_wait3A = arith.constant 0 : i32
        %dma_wait3A_76 = arith.constant 0 : i32
        %dma_wait3A_77 = tpu.memref_slice %arg14[%dma_wait3A, %dma_wait3A_76] : memref<10240x128xf32, #tpu.memory_space<vmem_shared>> -> memref<10240x128xf32, #tpu.memory_space<vmem_shared>>
        tpu.wait_indirect_dma semaphore(%run_scoped3A : memref<!tpu.dma_semaphore, #tpu.memory_space<semaphore_mem>>) src(%arg13 : memref<80x128xf32, #tpu.memory_space<vmem>>) dst(%dma_wait3A_77 : memref<10240x128xf32, #tpu.memory_space<vmem_shared>>)
        tpu.yield
      }) : () -> ()
    }
    %scan3A_42 = arith.constant 125 : i32
    %barrier3A_43 = arith.constant 0 : index
    tpu.barrier barrier_id(%barrier3A_43)
    %mul3A_44 = arith.constant 640 : i32
    %mul3A_45 = arith.muli %arg1, %mul3A_44 : i32
    %mul3A_46 = arith.constant 640 : i32
    %mul3A_47 = arith.muli %arg1, %mul3A_46 : i32
    "tpu.region"() ({
      %run_scoped3A = tpu.sem_alloc : memref<!tpu.dma_semaphore, #tpu.memory_space<semaphore_mem>>
      %dma_start3A = arith.constant 0 : i32
      %dma_start3A_66 = tpu.memref_slice %arg10[%arg0, %mul3A_47, %dma_start3A] : memref<2x10240x128xf32, #tpu.memory_space<hbm>> -> memref<1x640x128xf32, #tpu.memory_space<hbm>>
      %dma_start3A_67 = tpu.memref_squeeze %dma_start3A_66 : memref<1x640x128xf32, #tpu.memory_space<hbm>> -> memref<640x128xf32, #tpu.memory_space<hbm>>
      %dma_start3A_68 = arith.constant 0 : i32
      %dma_start3A_69 = tpu.memref_slice %arg14[%mul3A_45, %dma_start3A_68] : memref<10240x128xf32, #tpu.memory_space<vmem_shared>> -> memref<640x128xf32, #tpu.memory_space<vmem_shared>>
      tpu.enqueue_dma source(%dma_start3A_69 : memref<640x128xf32, #tpu.memory_space<vmem_shared>>) target(%dma_start3A_67 : memref<640x128xf32, #tpu.memory_space<hbm>>) target_semaphore(%run_scoped3A : memref<!tpu.dma_semaphore, #tpu.memory_space<semaphore_mem>>)
      %dma_wait3A = arith.constant 0 : i32
      %dma_wait3A_70 = tpu.memref_slice %arg10[%arg0, %mul3A_47, %dma_wait3A] : memref<2x10240x128xf32, #tpu.memory_space<hbm>> -> memref<1x640x128xf32, #tpu.memory_space<hbm>>
      %dma_wait3A_71 = tpu.memref_squeeze %dma_wait3A_70 : memref<1x640x128xf32, #tpu.memory_space<hbm>> -> memref<640x128xf32, #tpu.memory_space<hbm>>
      %dma_wait3A_72 = arith.constant 0 : i32
      %dma_wait3A_73 = tpu.memref_slice %arg14[%mul3A_45, %dma_wait3A_72] : memref<10240x128xf32, #tpu.memory_space<vmem_shared>> -> memref<640x128xf32, #tpu.memory_space<vmem_shared>>
      tpu.wait_dma2 semaphore(%run_scoped3A : memref<!tpu.dma_semaphore, #tpu.memory_space<semaphore_mem>>) src(%dma_wait3A_73 : memref<640x128xf32, #tpu.memory_space<vmem_shared>>) dst(%dma_wait3A_71 : memref<640x128xf32, #tpu.memory_space<hbm>>)
      tpu.yield
    }) : () -> ()
    %barrier3A_48 = arith.constant 0 : index
    tpu.barrier barrier_id(%barrier3A_48)
    %eq3A_49 = arith.constant 0 : i32
    %eq3A_50 = arith.cmpi eq, %arg1, %eq3A_49 : i32
    %convert_element_type3A_51 = arith.extui %eq3A_50 : i1 to i32
    %cond3A_52 = arith.constant 0 : i32
    %cond3A_53 = arith.cmpi ne, %convert_element_type3A_51, %cond3A_52 : i32
    scf.if %cond3A_53 {
      "tpu.region"() ({
        %run_scoped3A = tpu.sem_alloc : memref<!tpu.dma_semaphore, #tpu.memory_space<semaphore_mem>>
        tpu.enqueue_dma source(%arg7 : memref<10240x128xf32, #tpu.memory_space<hbm>>) target(%arg14 : memref<10240x128xf32, #tpu.memory_space<vmem_shared>>) target_semaphore(%run_scoped3A : memref<!tpu.dma_semaphore, #tpu.memory_space<semaphore_mem>>)
        tpu.wait_dma2 semaphore(%run_scoped3A : memref<!tpu.dma_semaphore, #tpu.memory_space<semaphore_mem>>) src(%arg7 : memref<10240x128xf32, #tpu.memory_space<hbm>>) dst(%arg14 : memref<10240x128xf32, #tpu.memory_space<vmem_shared>>)
        tpu.yield
      }) : () -> ()
    } else {
    }
    %barrier3A_54 = arith.constant 0 : index
    tpu.barrier barrier_id(%barrier3A_54)
    %scan3A_55 = arith.constant 0 : i32
    %scan3A_56 = arith.constant 125 : i32
    %scan3A_57 = arith.addi %scan3A_55, %scan3A_56 : i32
    %scan3A_58 = arith.constant 1 : i32
    scf.for %scan3A_66 = %scan3A_55 to %scan3A_57 step %scan3A_58  : i32 {
      %mul3A_67 = arith.constant 1 : i32
      %mul3A_68 = arith.muli %scan3A_66, %mul3A_67 : i32
      %add3A_69 = arith.constant 0 : i32
      %add3A_70 = arith.addi %add3A_69, %mul3A_68 : i32
      %mul3A_71 = arith.constant 80 : i32
      %mul3A_72 = arith.muli %add3A_70, %mul3A_71 : i32
      %add3A_73 = arith.addi %mul3A_2, %mul3A_72 : i32
      "tpu.region"() ({
        %run_scoped3A = tpu.sem_alloc : memref<!tpu.dma_semaphore, #tpu.memory_space<semaphore_mem>>
        %dma_start3A = arith.constant 0 : i32
        %dma_start3A_74 = tpu.memref_slice %arg6[%add3A, %add3A_70, %dma_start3A] : memref<32x125x80xi32, #tpu.memory_space<hbm>> -> memref<1x1x80xi32, #tpu.memory_space<hbm>>
        %dma_start3A_75 = tpu.memref_squeeze %dma_start3A_74 : memref<1x1x80xi32, #tpu.memory_space<hbm>> -> memref<80xi32, #tpu.memory_space<hbm>>
        %dma_start3A_76 = arith.constant 0 : i32
        %dma_start3A_77 = tpu.memref_slice %arg6[%add3A, %add3A_70, %dma_start3A_76] : memref<32x125x80xi32, #tpu.memory_space<hbm>> -> memref<1x1x80xi32, #tpu.memory_space<hbm>>
        %dma_start3A_78 = tpu.memref_squeeze %dma_start3A_77 : memref<1x1x80xi32, #tpu.memory_space<hbm>> -> memref<80xi32, #tpu.memory_space<hbm>>
        tpu.enqueue_dma source(%dma_start3A_78 : memref<80xi32, #tpu.memory_space<hbm>>) target(%arg12 : memref<80xi32, #tpu.memory_space<vmem>>) target_semaphore(%run_scoped3A : memref<!tpu.dma_semaphore, #tpu.memory_space<semaphore_mem>>)
        %dma_wait3A = arith.constant 0 : i32
        %dma_wait3A_79 = tpu.memref_slice %arg6[%add3A, %add3A_70, %dma_wait3A] : memref<32x125x80xi32, #tpu.memory_space<hbm>> -> memref<1x1x80xi32, #tpu.memory_space<hbm>>
        %dma_wait3A_80 = tpu.memref_squeeze %dma_wait3A_79 : memref<1x1x80xi32, #tpu.memory_space<hbm>> -> memref<80xi32, #tpu.memory_space<hbm>>
        %dma_wait3A_81 = arith.constant 0 : i32
        %dma_wait3A_82 = tpu.memref_slice %arg6[%add3A, %add3A_70, %dma_wait3A_81] : memref<32x125x80xi32, #tpu.memory_space<hbm>> -> memref<1x1x80xi32, #tpu.memory_space<hbm>>
        %dma_wait3A_83 = tpu.memref_squeeze %dma_wait3A_82 : memref<1x1x80xi32, #tpu.memory_space<hbm>> -> memref<80xi32, #tpu.memory_space<hbm>>
        tpu.wait_dma2 semaphore(%run_scoped3A : memref<!tpu.dma_semaphore, #tpu.memory_space<semaphore_mem>>) src(%dma_wait3A_83 : memref<80xi32, #tpu.memory_space<hbm>>) dst(%arg12 : memref<80xi32, #tpu.memory_space<vmem>>)
        tpu.yield
      }) : () -> ()
      "tpu.region"() ({
        %run_scoped3A = tpu.sem_alloc : memref<!tpu.dma_semaphore, #tpu.memory_space<semaphore_mem>>
        %dma_start3A = arith.constant 0 : i32
        %dma_start3A_74 = tpu.memref_slice %arg5[%add3A_73, %dma_start3A] : memref<320000x128xf32, #tpu.memory_space<hbm>> -> memref<80x128xf32, #tpu.memory_space<hbm>>
        %dma_start3A_75 = arith.constant 0 : i32
        %dma_start3A_76 = tpu.memref_slice %arg5[%add3A_73, %dma_start3A_75] : memref<320000x128xf32, #tpu.memory_space<hbm>> -> memref<80x128xf32, #tpu.memory_space<hbm>>
        tpu.enqueue_dma source(%dma_start3A_76 : memref<80x128xf32, #tpu.memory_space<hbm>>) target(%arg13 : memref<80x128xf32, #tpu.memory_space<vmem>>) target_semaphore(%run_scoped3A : memref<!tpu.dma_semaphore, #tpu.memory_space<semaphore_mem>>)
        %dma_wait3A = arith.constant 0 : i32
        %dma_wait3A_77 = tpu.memref_slice %arg5[%add3A_73, %dma_wait3A] : memref<320000x128xf32, #tpu.memory_space<hbm>> -> memref<80x128xf32, #tpu.memory_space<hbm>>
        %dma_wait3A_78 = arith.constant 0 : i32
        %dma_wait3A_79 = tpu.memref_slice %arg5[%add3A_73, %dma_wait3A_78] : memref<320000x128xf32, #tpu.memory_space<hbm>> -> memref<80x128xf32, #tpu.memory_space<hbm>>
        tpu.wait_dma2 semaphore(%run_scoped3A : memref<!tpu.dma_semaphore, #tpu.memory_space<semaphore_mem>>) src(%dma_wait3A_79 : memref<80x128xf32, #tpu.memory_space<hbm>>) dst(%arg13 : memref<80x128xf32, #tpu.memory_space<vmem>>)
        tpu.yield
      }) : () -> ()
      "tpu.region"() ({
        %run_scoped3A = tpu.sem_alloc : memref<!tpu.dma_semaphore, #tpu.memory_space<semaphore_mem>>
        %dma_start3A = arith.constant 0 : i32
        %dma_start3A_74 = arith.constant 0 : i32
        %dma_start3A_75 = tpu.memref_slice %arg14[%dma_start3A, %dma_start3A_74] : memref<10240x128xf32, #tpu.memory_space<vmem_shared>> -> memref<10240x128xf32, #tpu.memory_space<vmem_shared>>
        tpu.enqueue_indirect_dma source(%arg13 : memref<80x128xf32, #tpu.memory_space<vmem>>) target(%dma_start3A_75 : memref<10240x128xf32, #tpu.memory_space<vmem_shared>>) offsets(%arg12 : memref<80xi32, #tpu.memory_space<vmem>>) semaphore(%run_scoped3A : memref<!tpu.dma_semaphore, #tpu.memory_space<semaphore_mem>>) {add = true}
        %dma_wait3A = arith.constant 0 : i32
        %dma_wait3A_76 = arith.constant 0 : i32
        %dma_wait3A_77 = tpu.memref_slice %arg14[%dma_wait3A, %dma_wait3A_76] : memref<10240x128xf32, #tpu.memory_space<vmem_shared>> -> memref<10240x128xf32, #tpu.memory_space<vmem_shared>>
        tpu.wait_indirect_dma semaphore(%run_scoped3A : memref<!tpu.dma_semaphore, #tpu.memory_space<semaphore_mem>>) src(%arg13 : memref<80x128xf32, #tpu.memory_space<vmem>>) dst(%dma_wait3A_77 : memref<10240x128xf32, #tpu.memory_space<vmem_shared>>)
        tpu.yield
      }) : () -> ()
    }
    %scan3A_59 = arith.constant 125 : i32
    %barrier3A_60 = arith.constant 0 : index
    tpu.barrier barrier_id(%barrier3A_60)
    %mul3A_61 = arith.constant 640 : i32
    %mul3A_62 = arith.muli %arg1, %mul3A_61 : i32
    %mul3A_63 = arith.constant 640 : i32
    %mul3A_64 = arith.muli %arg1, %mul3A_63 : i32
    "tpu.region"() ({
      %run_scoped3A = tpu.sem_alloc : memref<!tpu.dma_semaphore, #tpu.memory_space<semaphore_mem>>
      %dma_start3A = arith.constant 0 : i32
      %dma_start3A_66 = tpu.memref_slice %arg11[%arg0, %mul3A_64, %dma_start3A] : memref<2x10240x128xf32, #tpu.memory_space<hbm>> -> memref<1x640x128xf32, #tpu.memory_space<hbm>>
      %dma_start3A_67 = tpu.memref_squeeze %dma_start3A_66 : memref<1x640x128xf32, #tpu.memory_space<hbm>> -> memref<640x128xf32, #tpu.memory_space<hbm>>
      %dma_start3A_68 = arith.constant 0 : i32
      %dma_start3A_69 = tpu.memref_slice %arg14[%mul3A_62, %dma_start3A_68] : memref<10240x128xf32, #tpu.memory_space<vmem_shared>> -> memref<640x128xf32, #tpu.memory_space<vmem_shared>>
      tpu.enqueue_dma source(%dma_start3A_69 : memref<640x128xf32, #tpu.memory_space<vmem_shared>>) target(%dma_start3A_67 : memref<640x128xf32, #tpu.memory_space<hbm>>) target_semaphore(%run_scoped3A : memref<!tpu.dma_semaphore, #tpu.memory_space<semaphore_mem>>)
      %dma_wait3A = arith.constant 0 : i32
      %dma_wait3A_70 = tpu.memref_slice %arg11[%arg0, %mul3A_64, %dma_wait3A] : memref<2x10240x128xf32, #tpu.memory_space<hbm>> -> memref<1x640x128xf32, #tpu.memory_space<hbm>>
      %dma_wait3A_71 = tpu.memref_squeeze %dma_wait3A_70 : memref<1x640x128xf32, #tpu.memory_space<hbm>> -> memref<640x128xf32, #tpu.memory_space<hbm>>
      %dma_wait3A_72 = arith.constant 0 : i32
      %dma_wait3A_73 = tpu.memref_slice %arg14[%mul3A_62, %dma_wait3A_72] : memref<10240x128xf32, #tpu.memory_space<vmem_shared>> -> memref<640x128xf32, #tpu.memory_space<vmem_shared>>
      tpu.wait_dma2 semaphore(%run_scoped3A : memref<!tpu.dma_semaphore, #tpu.memory_space<semaphore_mem>>) src(%dma_wait3A_73 : memref<640x128xf32, #tpu.memory_space<vmem_shared>>) dst(%dma_wait3A_71 : memref<640x128xf32, #tpu.memory_space<hbm>>)
      tpu.yield
    }) : () -> ()
    %barrier3A_65 = arith.constant 0 : index
    tpu.barrier barrier_id(%barrier3A_65)
    return
  }
}

module attributes {stable_mosaic.version = 14 : i64} {
  func.func @_k2_body(%arg0: i32, %arg1: memref<1600x256xf32, #tpu.memory_space<vmem>>, %arg2: memref<1600x256xf32, #tpu.memory_space<vmem>>, %arg3: memref<256x132xf32, #tpu.memory_space<vmem>>, %arg4: memref<256x132xf32, #tpu.memory_space<vmem>>, %arg5: memref<1600x132xf32, #tpu.memory_space<vmem>>, %arg6: memref<1600x132xf32, #tpu.memory_space<vmem>>, %arg7: memref<1600x8xf32, #tpu.memory_space<vmem>>, %arg8: memref<8x132xf32, #tpu.memory_space<vmem>>, %arg9: memref<8x256xf32, #tpu.memory_space<vmem>>) attributes {dimension_semantics = [#tpu.dimension_semantics<arbitrary>], iteration_bounds = array<i64: 200>, scalar_prefetch = 0 : i64, scratch_operands = 0 : i64, tpu.core_type = #tpu.core_type<tc>, window_params = [{transform_indices = @transform_0, window_bounds = array<i64: 1600, 256>}, {transform_indices = @transform_1, window_bounds = array<i64: 1600, 256>}, {pipeline_mode = #tpu.pipeline_mode<synchronous>, transform_indices = @transform_2, window_bounds = array<i64: 256, 132>}, {pipeline_mode = #tpu.pipeline_mode<synchronous>, transform_indices = @transform_3, window_bounds = array<i64: 256, 132>}, {transform_indices = @transform_4, window_bounds = array<i64: 1600, 132>}, {transform_indices = @transform_5, window_bounds = array<i64: 1600, 132>}, {transform_indices = @transform_6, window_bounds = array<i64: 1600, 8>}, {pipeline_mode = #tpu.pipeline_mode<synchronous>, transform_indices = @transform_7, window_bounds = array<i64: 8, 132>}, {pipeline_mode = #tpu.pipeline_mode<synchronous>, transform_indices = @transform_8, window_bounds = array<i64: 8, 256>}]} {
    %get3A = arith.constant 0 : index
    %get3A_0 = arith.constant 0 : index
    %get3A_1 = vector.load %arg1[%get3A, %get3A_0] : memref<1600x256xf32, #tpu.memory_space<vmem>>, vector<1600x256xf32>
    %get3A_2 = arith.constant 0 : index
    %get3A_3 = arith.constant 0 : index
    %get3A_4 = vector.load %arg2[%get3A_2, %get3A_3] : memref<1600x256xf32, #tpu.memory_space<vmem>>, vector<1600x256xf32>
    %sub3A = arith.subf %get3A_4, %get3A_1 : vector<1600x256xf32>
    %get3A_5 = arith.constant 0 : index
    %get3A_6 = arith.constant 0 : index
    %get3A_7 = vector.load %arg3[%get3A_5, %get3A_6] : memref<256x132xf32, #tpu.memory_space<vmem>>, vector<256x132xf32>
    %dot_general3A = arith.constant dense<0.000000e+00> : vector<1600x132xf32>
    %dot_general3A_8 = tpu.matmul %get3A_1, %get3A_7, %dot_general3A {dimension_numbers = #tpu.dot_dimension_numbers<[1], [0], [0], [1], [0, 0, 1, 1], [], []>, transpose_lhs_hint = false} : vector<1600x256xf32>, vector<256x132xf32>, vector<1600x132xf32> -> vector<1600x132xf32>
    %get3A_9 = arith.constant 0 : index
    %get3A_10 = arith.constant 0 : index
    %get3A_11 = vector.load %arg4[%get3A_9, %get3A_10] : memref<256x132xf32, #tpu.memory_space<vmem>>, vector<256x132xf32>
    %dot_general3A_12 = arith.constant dense<0.000000e+00> : vector<1600x132xf32>
    %dot_general3A_13 = tpu.matmul %sub3A, %get3A_11, %dot_general3A_12 {dimension_numbers = #tpu.dot_dimension_numbers<[1], [0], [0], [1], [0, 0, 1, 1], [], []>, transpose_lhs_hint = false} : vector<1600x256xf32>, vector<256x132xf32>, vector<1600x132xf32> -> vector<1600x132xf32>
    %swap3A = arith.constant 0 : index
    %swap3A_14 = arith.constant 0 : index
    %swap3A_15 = vector.load %arg5[%swap3A, %swap3A_14] : memref<1600x132xf32, #tpu.memory_space<vmem>>, vector<1600x132xf32>
    tpu.vector_store %arg5[%swap3A, %swap3A_14], %dot_general3A_8 {strides = array<i32>} : memref<1600x132xf32, #tpu.memory_space<vmem>>, vector<1600x132xf32>,
    %swap3A_16 = arith.constant 0 : index
    %swap3A_17 = arith.constant 0 : index
    %swap3A_18 = vector.load %arg6[%swap3A_16, %swap3A_17] : memref<1600x132xf32, #tpu.memory_space<vmem>>, vector<1600x132xf32>
    tpu.vector_store %arg6[%swap3A_16, %swap3A_17], %dot_general3A_13 {strides = array<i32>} : memref<1600x132xf32, #tpu.memory_space<vmem>>, vector<1600x132xf32>,
    %slice3A = vector.extract_strided_slice %sub3A {offsets = [0, 132], sizes = [1600, 8], strides = [1, 1]} : vector<1600x256xf32> to vector<1600x8xf32>
    %swap3A_19 = arith.constant 0 : index
    %swap3A_20 = arith.constant 0 : index
    %swap3A_21 = vector.load %arg7[%swap3A_19, %swap3A_20] : memref<1600x8xf32, #tpu.memory_space<vmem>>, vector<1600x8xf32>
    tpu.vector_store %arg7[%swap3A_19, %swap3A_20], %slice3A {strides = array<i32>} : memref<1600x8xf32, #tpu.memory_space<vmem>>, vector<1600x8xf32>,
    %iota3A = tpu.iota {dimensions = array<i32: 1>} : vector<1x256xi32>
    %ge3A = arith.constant 132 : i32
    %ge3A_22 = vector.broadcast %ge3A : i32 to vector<1x256xi32>
    %ge3A_23 = arith.cmpi sge, %iota3A, %ge3A_22 : vector<1x256xi32>
    %lt3A = arith.constant 135 : i32
    %lt3A_24 = vector.broadcast %lt3A : i32 to vector<1x256xi32>
    %lt3A_25 = arith.cmpi slt, %iota3A, %lt3A_24 : vector<1x256xi32>
    %and3A = arith.andi %ge3A_23, %lt3A_25 : vector<1x256xi1>
    %jit3A = arith.constant 1.000000e+00 : f32
    %jit3A_26 = arith.constant 0.000000e+00 : f32
    %broadcast_in_dim3A = vector.broadcast %jit3A : f32 to vector<1x256xf32>
    %broadcast_in_dim3A_27 = vector.broadcast %jit3A_26 : f32 to vector<1x256xf32>
    %select_n3A = arith.select %and3A, %broadcast_in_dim3A, %broadcast_in_dim3A_27 : vector<1x256xi1>, vector<1x256xf32>
    %eq3A = arith.constant 0 : i32
    %eq3A_28 = arith.cmpi eq, %arg0, %eq3A : i32
    %convert_element_type3A = arith.extui %eq3A_28 : i1 to i32
    %cond3A = arith.constant 0 : i32
    %cond3A_29 = arith.cmpi ne, %convert_element_type3A, %cond3A : i32
    scf.if %cond3A_29 {
      %broadcast_in_dim3A_126 = arith.constant 0.000000e+00 : f32
      %broadcast_in_dim3A_127 = vector.broadcast %broadcast_in_dim3A_126 : f32 to vector<8x132xf32>
      %swap3A_128 = arith.constant 0 : index
      %swap3A_129 = arith.constant 0 : index
      %swap3A_130 = vector.load %arg8[%swap3A_128, %swap3A_129] : memref<8x132xf32, #tpu.memory_space<vmem>>, vector<8x132xf32>
      tpu.vector_store %arg8[%swap3A_128, %swap3A_129], %broadcast_in_dim3A_127 {strides = array<i32>} : memref<8x132xf32, #tpu.memory_space<vmem>>, vector<8x132xf32>,
      %broadcast_in_dim3A_131 = arith.constant 0.000000e+00 : f32
      %broadcast_in_dim3A_132 = vector.broadcast %broadcast_in_dim3A_131 : f32 to vector<8x256xf32>
      %swap3A_133 = arith.constant 0 : index
      %swap3A_134 = arith.constant 0 : index
      %swap3A_135 = vector.load %arg9[%swap3A_133, %swap3A_134] : memref<8x256xf32, #tpu.memory_space<vmem>>, vector<8x256xf32>
      tpu.vector_store %arg9[%swap3A_133, %swap3A_134], %broadcast_in_dim3A_132 {strides = array<i32>} : memref<8x256xf32, #tpu.memory_space<vmem>>, vector<8x256xf32>,
    } else {
    }
    %get3A_30 = arith.constant 0 : index
    %get3A_31 = arith.constant 0 : index
    %get3A_32 = vector.load %arg8[%get3A_30, %get3A_31] : memref<8x132xf32, #tpu.memory_space<vmem>>, vector<1x132xf32>
    %reduce_sum3A = arith.constant dense<0.000000e+00> : vector<132xf32>
    %reduce_sum3A_33 = vector.multi_reduction <add>, %dot_general3A_8, %reduce_sum3A [0] : vector<1600x132xf32> to vector<132xf32>
    %broadcast_in_dim3A_34 = vector.shape_cast %reduce_sum3A_33 : vector<132xf32> to vector<1x132xf32>
    %add3A = arith.addf %get3A_32, %broadcast_in_dim3A_34 : vector<1x132xf32>
    %swap3A_35 = arith.constant 0 : index
    %swap3A_36 = arith.constant 0 : index
    %swap3A_37 = vector.load %arg8[%swap3A_35, %swap3A_36] : memref<8x132xf32, #tpu.memory_space<vmem>>, vector<1x132xf32>
    tpu.vector_store %arg8[%swap3A_35, %swap3A_36], %add3A {strides = array<i32>} : memref<8x132xf32, #tpu.memory_space<vmem>>, vector<1x132xf32>,
    %get3A_38 = arith.constant 1 : index
    %get3A_39 = arith.constant 0 : index
    %get3A_40 = vector.load %arg8[%get3A_38, %get3A_39] : memref<8x132xf32, #tpu.memory_space<vmem>>, vector<1x132xf32>
    %reduce_sum3A_41 = arith.constant dense<0.000000e+00> : vector<132xf32>
    %reduce_sum3A_42 = vector.multi_reduction <add>, %dot_general3A_13, %reduce_sum3A_41 [0] : vector<1600x132xf32> to vector<132xf32>
    %broadcast_in_dim3A_43 = vector.shape_cast %reduce_sum3A_42 : vector<132xf32> to vector<1x132xf32>
    %add3A_44 = arith.addf %get3A_40, %broadcast_in_dim3A_43 : vector<1x132xf32>
    %swap3A_45 = arith.constant 1 : index
    %swap3A_46 = arith.constant 0 : index
    %swap3A_47 = vector.load %arg8[%swap3A_45, %swap3A_46] : memref<8x132xf32, #tpu.memory_space<vmem>>, vector<1x132xf32>
    tpu.vector_store %arg8[%swap3A_45, %swap3A_46], %add3A_44 {strides = array<i32>} : memref<8x132xf32, #tpu.memory_space<vmem>>, vector<1x132xf32>,
    %get3A_48 = arith.constant 2 : index
    %get3A_49 = arith.constant 0 : index
    %get3A_50 = vector.load %arg8[%get3A_48, %get3A_49] : memref<8x132xf32, #tpu.memory_space<vmem>>, vector<1x132xf32>
    %mul3A = arith.mulf %dot_general3A_8, %dot_general3A_8 : vector<1600x132xf32>
    %reduce_sum3A_51 = arith.constant dense<0.000000e+00> : vector<132xf32>
    %reduce_sum3A_52 = vector.multi_reduction <add>, %mul3A, %reduce_sum3A_51 [0] : vector<1600x132xf32> to vector<132xf32>
    %broadcast_in_dim3A_53 = vector.shape_cast %reduce_sum3A_52 : vector<132xf32> to vector<1x132xf32>
    %add3A_54 = arith.addf %get3A_50, %broadcast_in_dim3A_53 : vector<1x132xf32>
    %swap3A_55 = arith.constant 2 : index
    %swap3A_56 = arith.constant 0 : index
    %swap3A_57 = vector.load %arg8[%swap3A_55, %swap3A_56] : memref<8x132xf32, #tpu.memory_space<vmem>>, vector<1x132xf32>
    tpu.vector_store %arg8[%swap3A_55, %swap3A_56], %add3A_54 {strides = array<i32>} : memref<8x132xf32, #tpu.memory_space<vmem>>, vector<1x132xf32>,
    %get3A_58 = arith.constant 3 : index
    %get3A_59 = arith.constant 0 : index
    %get3A_60 = vector.load %arg8[%get3A_58, %get3A_59] : memref<8x132xf32, #tpu.memory_space<vmem>>, vector<1x132xf32>
    %mul3A_61 = arith.mulf %dot_general3A_13, %dot_general3A_13 : vector<1600x132xf32>
    %reduce_sum3A_62 = arith.constant dense<0.000000e+00> : vector<132xf32>
    %reduce_sum3A_63 = vector.multi_reduction <add>, %mul3A_61, %reduce_sum3A_62 [0] : vector<1600x132xf32> to vector<132xf32>
    %broadcast_in_dim3A_64 = vector.shape_cast %reduce_sum3A_63 : vector<132xf32> to vector<1x132xf32>
    %add3A_65 = arith.addf %get3A_60, %broadcast_in_dim3A_64 : vector<1x132xf32>
    %swap3A_66 = arith.constant 3 : index
    %swap3A_67 = arith.constant 0 : index
    %swap3A_68 = vector.load %arg8[%swap3A_66, %swap3A_67] : memref<8x132xf32, #tpu.memory_space<vmem>>, vector<1x132xf32>
    tpu.vector_store %arg8[%swap3A_66, %swap3A_67], %add3A_65 {strides = array<i32>} : memref<8x132xf32, #tpu.memory_space<vmem>>, vector<1x132xf32>,
    %get3A_69 = arith.constant 4 : index
    %get3A_70 = arith.constant 0 : index
    %get3A_71 = vector.load %arg8[%get3A_69, %get3A_70] : memref<8x132xf32, #tpu.memory_space<vmem>>, vector<1x132xf32>
    %mul3A_72 = arith.mulf %dot_general3A_8, %dot_general3A_13 : vector<1600x132xf32>
    %reduce_sum3A_73 = arith.constant dense<0.000000e+00> : vector<132xf32>
    %reduce_sum3A_74 = vector.multi_reduction <add>, %mul3A_72, %reduce_sum3A_73 [0] : vector<1600x132xf32> to vector<132xf32>
    %broadcast_in_dim3A_75 = vector.shape_cast %reduce_sum3A_74 : vector<132xf32> to vector<1x132xf32>
    %add3A_76 = arith.addf %get3A_71, %broadcast_in_dim3A_75 : vector<1x132xf32>
    %swap3A_77 = arith.constant 4 : index
    %swap3A_78 = arith.constant 0 : index
    %swap3A_79 = vector.load %arg8[%swap3A_77, %swap3A_78] : memref<8x132xf32, #tpu.memory_space<vmem>>, vector<1x132xf32>
    tpu.vector_store %arg8[%swap3A_77, %swap3A_78], %add3A_76 {strides = array<i32>} : memref<8x132xf32, #tpu.memory_space<vmem>>, vector<1x132xf32>,
    %get3A_80 = arith.constant 0 : index
    %get3A_81 = arith.constant 0 : index
    %get3A_82 = vector.load %arg9[%get3A_80, %get3A_81] : memref<8x256xf32, #tpu.memory_space<vmem>>, vector<1x256xf32>
    %reduce_sum3A_83 = arith.constant dense<0.000000e+00> : vector<256xf32>
    %reduce_sum3A_84 = vector.multi_reduction <add>, %sub3A, %reduce_sum3A_83 [0] : vector<1600x256xf32> to vector<256xf32>
    %broadcast_in_dim3A_85 = vector.shape_cast %reduce_sum3A_84 : vector<256xf32> to vector<1x256xf32>
    %add3A_86 = arith.addf %get3A_82, %broadcast_in_dim3A_85 : vector<1x256xf32>
    %swap3A_87 = arith.constant 0 : index
    %swap3A_88 = arith.constant 0 : index
    %swap3A_89 = vector.load %arg9[%swap3A_87, %swap3A_88] : memref<8x256xf32, #tpu.memory_space<vmem>>, vector<1x256xf32>
    tpu.vector_store %arg9[%swap3A_87, %swap3A_88], %add3A_86 {strides = array<i32>} : memref<8x256xf32, #tpu.memory_space<vmem>>, vector<1x256xf32>,
    %get3A_90 = arith.constant 1 : index
    %get3A_91 = arith.constant 0 : index
    %get3A_92 = vector.load %arg9[%get3A_90, %get3A_91] : memref<8x256xf32, #tpu.memory_space<vmem>>, vector<1x256xf32>
    %mul3A_93 = arith.mulf %sub3A, %sub3A : vector<1600x256xf32>
    %reduce_sum3A_94 = arith.constant dense<0.000000e+00> : vector<256xf32>
    %reduce_sum3A_95 = vector.multi_reduction <add>, %mul3A_93, %reduce_sum3A_94 [0] : vector<1600x256xf32> to vector<256xf32>
    %broadcast_in_dim3A_96 = vector.shape_cast %reduce_sum3A_95 : vector<256xf32> to vector<1x256xf32>
    %add3A_97 = arith.addf %get3A_92, %broadcast_in_dim3A_96 : vector<1x256xf32>
    %swap3A_98 = arith.constant 1 : index
    %swap3A_99 = arith.constant 0 : index
    %swap3A_100 = vector.load %arg9[%swap3A_98, %swap3A_99] : memref<8x256xf32, #tpu.memory_space<vmem>>, vector<1x256xf32>
    tpu.vector_store %arg9[%swap3A_98, %swap3A_99], %add3A_97 {strides = array<i32>} : memref<8x256xf32, #tpu.memory_space<vmem>>, vector<1x256xf32>,
    %get3A_101 = arith.constant 2 : index
    %get3A_102 = arith.constant 0 : index
    %get3A_103 = vector.load %arg9[%get3A_101, %get3A_102] : memref<8x256xf32, #tpu.memory_space<vmem>>, vector<1x256xf32>
    %mul3A_104 = vector.broadcast %select_n3A : vector<1x256xf32> to vector<1600x256xf32>
    %mul3A_105 = arith.mulf %sub3A, %mul3A_104 : vector<1600x256xf32>
    %reduce_sum3A_106 = arith.constant dense<0.000000e+00> : vector<256xf32>
    %reduce_sum3A_107 = vector.multi_reduction <add>, %mul3A_105, %reduce_sum3A_106 [0] : vector<1600x256xf32> to vector<256xf32>
    %broadcast_in_dim3A_108 = vector.shape_cast %reduce_sum3A_107 : vector<256xf32> to vector<1x256xf32>
    %add3A_109 = arith.addf %get3A_103, %broadcast_in_dim3A_108 : vector<1x256xf32>
    %swap3A_110 = arith.constant 2 : index
    %swap3A_111 = arith.constant 0 : index
    %swap3A_112 = vector.load %arg9[%swap3A_110, %swap3A_111] : memref<8x256xf32, #tpu.memory_space<vmem>>, vector<1x256xf32>
    tpu.vector_store %arg9[%swap3A_110, %swap3A_111], %add3A_109 {strides = array<i32>} : memref<8x256xf32, #tpu.memory_space<vmem>>, vector<1x256xf32>,
    %get3A_113 = arith.constant 3 : index
    %get3A_114 = arith.constant 0 : index
    %get3A_115 = vector.load %arg9[%get3A_113, %get3A_114] : memref<8x256xf32, #tpu.memory_space<vmem>>, vector<1x256xf32>
    %mul3A_116 = arith.mulf %sub3A, %sub3A : vector<1600x256xf32>
    %mul3A_117 = vector.broadcast %select_n3A : vector<1x256xf32> to vector<1600x256xf32>
    %mul3A_118 = arith.mulf %mul3A_116, %mul3A_117 : vector<1600x256xf32>
    %reduce_sum3A_119 = arith.constant dense<0.000000e+00> : vector<256xf32>
    %reduce_sum3A_120 = vector.multi_reduction <add>, %mul3A_118, %reduce_sum3A_119 [0] : vector<1600x256xf32> to vector<256xf32>
    %broadcast_in_dim3A_121 = vector.shape_cast %reduce_sum3A_120 : vector<256xf32> to vector<1x256xf32>
    %add3A_122 = arith.addf %get3A_115, %broadcast_in_dim3A_121 : vector<1x256xf32>
    %swap3A_123 = arith.constant 3 : index
    %swap3A_124 = arith.constant 0 : index
    %swap3A_125 = vector.load %arg9[%swap3A_123, %swap3A_124] : memref<8x256xf32, #tpu.memory_space<vmem>>, vector<1x256xf32>
    tpu.vector_store %arg9[%swap3A_123, %swap3A_124], %add3A_122 {strides = array<i32>} : memref<8x256xf32, #tpu.memory_space<vmem>>, vector<1x256xf32>,
    return
  }
  func.func @transform_0(%arg0: i32) -> (i32, i32) {
    %c0_i32 = arith.constant 0 : i32
    %c0_i32_0 = arith.constant 0 : i32
    return %arg0, %c0_i32 : i32, i32
  }
  func.func @transform_1(%arg0: i32) -> (i32, i32) {
    %c0_i32 = arith.constant 0 : i32
    %c0_i32_0 = arith.constant 0 : i32
    return %arg0, %c0_i32 : i32, i32
  }
  func.func @transform_2(%arg0: i32) -> (i32, i32) {
    %c0_i32 = arith.constant 0 : i32
    %c0_i32_0 = arith.constant 0 : i32
    %c0_i32_1 = arith.constant 0 : i32
    return %c0_i32, %c0_i32_0 : i32, i32
  }
  func.func @transform_3(%arg0: i32) -> (i32, i32) {
    %c0_i32 = arith.constant 0 : i32
    %c0_i32_0 = arith.constant 0 : i32
    %c0_i32_1 = arith.constant 0 : i32
    return %c0_i32, %c0_i32_0 : i32, i32
  }
  func.func @transform_4(%arg0: i32) -> (i32, i32) {
    %c0_i32 = arith.constant 0 : i32
    %c0_i32_0 = arith.constant 0 : i32
    return %arg0, %c0_i32 : i32, i32
  }
  func.func @transform_5(%arg0: i32) -> (i32, i32) {
    %c0_i32 = arith.constant 0 : i32
    %c0_i32_0 = arith.constant 0 : i32
    return %arg0, %c0_i32 : i32, i32
  }
  func.func @transform_6(%arg0: i32) -> (i32, i32) {
    %c0_i32 = arith.constant 0 : i32
    %c0_i32_0 = arith.constant 0 : i32
    return %arg0, %c0_i32 : i32, i32
  }
  func.func @transform_7(%arg0: i32) -> (i32, i32) {
    %c0_i32 = arith.constant 0 : i32
    %c0_i32_0 = arith.constant 0 : i32
    %c0_i32_1 = arith.constant 0 : i32
    return %c0_i32, %c0_i32_0 : i32, i32
  }
  func.func @transform_8(%arg0: i32) -> (i32, i32) {
    %c0_i32 = arith.constant 0 : i32
    %c0_i32_0 = arith.constant 0 : i32
    %c0_i32_1 = arith.constant 0 : i32
    return %c0_i32, %c0_i32_0 : i32, i32
  }
}

module attributes {stable_mosaic.version = 14 : i64} {
  func.func @_k3_body(%arg0: i32, %arg1: memref<1600x132xf32, #tpu.memory_space<vmem>>, %arg2: memref<1600x132xf32, #tpu.memory_space<vmem>>, %arg3: memref<1600x8xf32, #tpu.memory_space<vmem>>, %arg4: memref<8x132xf32, #tpu.memory_space<vmem>>, %arg5: memref<1600x132xf32, #tpu.memory_space<vmem>>, %arg6: memref<8x132xf32, #tpu.memory_space<vmem>>, %arg7: memref<132x132xf32, #tpu.memory_space<vmem>>) attributes {dimension_semantics = [#tpu.dimension_semantics<arbitrary>], iteration_bounds = array<i64: 200>, scalar_prefetch = 0 : i64, scratch_operands = 0 : i64, tpu.core_type = #tpu.core_type<tc>, window_params = [{transform_indices = @transform_0, window_bounds = array<i64: 1600, 132>}, {transform_indices = @transform_1, window_bounds = array<i64: 1600, 132>}, {transform_indices = @transform_2, window_bounds = array<i64: 1600, 8>}, {pipeline_mode = #tpu.pipeline_mode<synchronous>, transform_indices = @transform_3, window_bounds = array<i64: 8, 132>}, {transform_indices = @transform_4, window_bounds = array<i64: 1600, 132>}, {pipeline_mode = #tpu.pipeline_mode<synchronous>, transform_indices = @transform_5, window_bounds = array<i64: 8, 132>}, {pipeline_mode = #tpu.pipeline_mode<synchronous>, transform_indices = @transform_6, window_bounds = array<i64: 132, 132>}]} {
    %get3A = arith.constant 0 : index
    %get3A_0 = arith.constant 0 : index
    %get3A_1 = vector.load %arg4[%get3A, %get3A_0] : memref<8x132xf32, #tpu.memory_space<vmem>>, vector<8x132xf32>
    %get3A_2 = arith.constant 0 : index
    %get3A_3 = arith.constant 0 : index
    %get3A_4 = vector.load %arg3[%get3A_2, %get3A_3] : memref<1600x8xf32, #tpu.memory_space<vmem>>, vector<1600x8xf32>
    %slice3A = vector.extract_strided_slice %get3A_4 {offsets = [0, 0], sizes = [1600, 1], strides = [1, 1]} : vector<1600x8xf32> to vector<1600x1xf32>
    %slice3A_5 = vector.extract_strided_slice %get3A_1 {offsets = [5, 0], sizes = [1, 132], strides = [1, 1]} : vector<8x132xf32> to vector<1x132xf32>
    %mul3A = vector.broadcast %slice3A : vector<1600x1xf32> to vector<1600x132xf32>
    %mul3A_6 = vector.broadcast %slice3A_5 : vector<1x132xf32> to vector<1600x132xf32>
    %mul3A_7 = arith.mulf %mul3A, %mul3A_6 : vector<1600x132xf32>
    %slice3A_8 = vector.extract_strided_slice %get3A_4 {offsets = [0, 1], sizes = [1600, 1], strides = [1, 1]} : vector<1600x8xf32> to vector<1600x1xf32>
    %slice3A_9 = vector.extract_strided_slice %get3A_1 {offsets = [6, 0], sizes = [1, 132], strides = [1, 1]} : vector<8x132xf32> to vector<1x132xf32>
    %mul3A_10 = vector.broadcast %slice3A_8 : vector<1600x1xf32> to vector<1600x132xf32>
    %mul3A_11 = vector.broadcast %slice3A_9 : vector<1x132xf32> to vector<1600x132xf32>
    %mul3A_12 = arith.mulf %mul3A_10, %mul3A_11 : vector<1600x132xf32>
    %add3A = arith.addf %mul3A_7, %mul3A_12 : vector<1600x132xf32>
    %slice3A_13 = vector.extract_strided_slice %get3A_4 {offsets = [0, 2], sizes = [1600, 1], strides = [1, 1]} : vector<1600x8xf32> to vector<1600x1xf32>
    %slice3A_14 = vector.extract_strided_slice %get3A_1 {offsets = [7, 0], sizes = [1, 132], strides = [1, 1]} : vector<8x132xf32> to vector<1x132xf32>
    %mul3A_15 = vector.broadcast %slice3A_13 : vector<1600x1xf32> to vector<1600x132xf32>
    %mul3A_16 = vector.broadcast %slice3A_14 : vector<1x132xf32> to vector<1600x132xf32>
    %mul3A_17 = arith.mulf %mul3A_15, %mul3A_16 : vector<1600x132xf32>
    %add3A_18 = arith.addf %add3A, %mul3A_17 : vector<1600x132xf32>
    %slice3A_19 = vector.extract_strided_slice %get3A_1 {offsets = [3, 0], sizes = [1, 132], strides = [1, 1]} : vector<8x132xf32> to vector<1x132xf32>
    %mul3A_20 = vector.broadcast %slice3A_19 : vector<1x132xf32> to vector<1600x132xf32>
    %mul3A_21 = arith.mulf %add3A_18, %mul3A_20 : vector<1600x132xf32>
    %slice3A_22 = vector.extract_strided_slice %get3A_1 {offsets = [4, 0], sizes = [1, 132], strides = [1, 1]} : vector<8x132xf32> to vector<1x132xf32>
    %add3A_23 = vector.broadcast %slice3A_22 : vector<1x132xf32> to vector<1600x132xf32>
    %add3A_24 = arith.addf %mul3A_21, %add3A_23 : vector<1600x132xf32>
    %sin3A = math.sin %add3A_24 : vector<1600x132xf32>
    %get3A_25 = arith.constant 0 : index
    %get3A_26 = arith.constant 0 : index
    %get3A_27 = vector.load %arg1[%get3A_25, %get3A_26] : memref<1600x132xf32, #tpu.memory_space<vmem>>, vector<1600x132xf32>
    %slice3A_28 = vector.extract_strided_slice %get3A_1 {offsets = [0, 0], sizes = [1, 132], strides = [1, 1]} : vector<8x132xf32> to vector<1x132xf32>
    %mul3A_29 = vector.broadcast %slice3A_28 : vector<1x132xf32> to vector<1600x132xf32>
    %mul3A_30 = arith.mulf %get3A_27, %mul3A_29 : vector<1600x132xf32>
    %get3A_31 = arith.constant 0 : index
    %get3A_32 = arith.constant 0 : index
    %get3A_33 = vector.load %arg2[%get3A_31, %get3A_32] : memref<1600x132xf32, #tpu.memory_space<vmem>>, vector<1600x132xf32>
    %slice3A_34 = vector.extract_strided_slice %get3A_1 {offsets = [1, 0], sizes = [1, 132], strides = [1, 1]} : vector<8x132xf32> to vector<1x132xf32>
    %mul3A_35 = vector.broadcast %slice3A_34 : vector<1x132xf32> to vector<1600x132xf32>
    %mul3A_36 = arith.mulf %get3A_33, %mul3A_35 : vector<1600x132xf32>
    %add3A_37 = arith.addf %mul3A_30, %mul3A_36 : vector<1600x132xf32>
    %slice3A_38 = vector.extract_strided_slice %get3A_1 {offsets = [2, 0], sizes = [1, 132], strides = [1, 1]} : vector<8x132xf32> to vector<1x132xf32>
    %add3A_39 = vector.broadcast %slice3A_38 : vector<1x132xf32> to vector<1600x132xf32>
    %add3A_40 = arith.addf %add3A_37, %add3A_39 : vector<1600x132xf32>
    %max3A = arith.constant 0.000000e+00 : f32
    %max3A_41 = vector.broadcast %max3A : f32 to vector<1600x132xf32>
    %max3A_42 = arith.maximumf %add3A_40, %max3A_41 : vector<1600x132xf32>
    %add3A_43 = arith.addf %max3A_42, %sin3A : vector<1600x132xf32>
    %mul3A_44 = arith.mulf %sin3A, %add3A_43 : vector<1600x132xf32>
    %swap3A = arith.constant 0 : index
    %swap3A_45 = arith.constant 0 : index
    %swap3A_46 = vector.load %arg5[%swap3A, %swap3A_45] : memref<1600x132xf32, #tpu.memory_space<vmem>>, vector<1600x132xf32>
    tpu.vector_store %arg5[%swap3A, %swap3A_45], %mul3A_44 {strides = array<i32>} : memref<1600x132xf32, #tpu.memory_space<vmem>>, vector<1600x132xf32>,
    %eq3A = arith.constant 0 : i32
    %eq3A_47 = arith.cmpi eq, %arg0, %eq3A : i32
    %convert_element_type3A = arith.extui %eq3A_47 : i1 to i32
    %cond3A = arith.constant 0 : i32
    %cond3A_48 = arith.cmpi ne, %convert_element_type3A, %cond3A : i32
    scf.if %cond3A_48 {
      %broadcast_in_dim3A_65 = arith.constant 0.000000e+00 : f32
      %broadcast_in_dim3A_66 = vector.broadcast %broadcast_in_dim3A_65 : f32 to vector<8x132xf32>
      %swap3A_67 = arith.constant 0 : index
      %swap3A_68 = arith.constant 0 : index
      %swap3A_69 = vector.load %arg6[%swap3A_67, %swap3A_68] : memref<8x132xf32, #tpu.memory_space<vmem>>, vector<8x132xf32>
      tpu.vector_store %arg6[%swap3A_67, %swap3A_68], %broadcast_in_dim3A_66 {strides = array<i32>} : memref<8x132xf32, #tpu.memory_space<vmem>>, vector<8x132xf32>,
      %broadcast_in_dim3A_70 = arith.constant 0.000000e+00 : f32
      %broadcast_in_dim3A_71 = vector.broadcast %broadcast_in_dim3A_70 : f32 to vector<132x132xf32>
      %swap3A_72 = arith.constant 0 : index
      %swap3A_73 = arith.constant 0 : index
      %swap3A_74 = vector.load %arg7[%swap3A_72, %swap3A_73] : memref<132x132xf32, #tpu.memory_space<vmem>>, vector<132x132xf32>
      tpu.vector_store %arg7[%swap3A_72, %swap3A_73], %broadcast_in_dim3A_71 {strides = array<i32>} : memref<132x132xf32, #tpu.memory_space<vmem>>, vector<132x132xf32>,
    } else {
    }
    %get3A_49 = arith.constant 0 : index
    %get3A_50 = arith.constant 0 : index
    %get3A_51 = vector.load %arg6[%get3A_49, %get3A_50] : memref<8x132xf32, #tpu.memory_space<vmem>>, vector<1x132xf32>
    %reduce_sum3A = arith.constant dense<0.000000e+00> : vector<132xf32>
    %reduce_sum3A_52 = vector.multi_reduction <add>, %mul3A_44, %reduce_sum3A [0] : vector<1600x132xf32> to vector<132xf32>
    %broadcast_in_dim3A = vector.shape_cast %reduce_sum3A_52 : vector<132xf32> to vector<1x132xf32>
    %add3A_53 = arith.addf %get3A_51, %broadcast_in_dim3A : vector<1x132xf32>
    %swap3A_54 = arith.constant 0 : index
    %swap3A_55 = arith.constant 0 : index
    %swap3A_56 = vector.load %arg6[%swap3A_54, %swap3A_55] : memref<8x132xf32, #tpu.memory_space<vmem>>, vector<1x132xf32>
    tpu.vector_store %arg6[%swap3A_54, %swap3A_55], %add3A_53 {strides = array<i32>} : memref<8x132xf32, #tpu.memory_space<vmem>>, vector<1x132xf32>,
    %get3A_57 = arith.constant 0 : index
    %get3A_58 = arith.constant 0 : index
    %get3A_59 = vector.load %arg7[%get3A_57, %get3A_58] : memref<132x132xf32, #tpu.memory_space<vmem>>, vector<132x132xf32>
    %dot_general3A = arith.constant dense<0.000000e+00> : vector<132x132xf32>
    %dot_general3A_60 = tpu.matmul %mul3A_44, %mul3A_44, %dot_general3A {dimension_numbers = #tpu.dot_dimension_numbers<[0], [0], [1], [1], [0, 1, 1, 1], [], []>, transpose_lhs_hint = false} : vector<1600x132xf32>, vector<1600x132xf32>, vector<132x132xf32> -> vector<132x132xf32>
    %add3A_61 = arith.addf %get3A_59, %dot_general3A_60 : vector<132x132xf32>
    %swap3A_62 = arith.constant 0 : index
    %swap3A_63 = arith.constant 0 : index
    %swap3A_64 = vector.load %arg7[%swap3A_62, %swap3A_63] : memref<132x132xf32, #tpu.memory_space<vmem>>, vector<132x132xf32>
    tpu.vector_store %arg7[%swap3A_62, %swap3A_63], %add3A_61 {strides = array<i32>} : memref<132x132xf32, #tpu.memory_space<vmem>>, vector<132x132xf32>,
    return
  }
  func.func @transform_0(%arg0: i32) -> (i32, i32) {
    %c0_i32 = arith.constant 0 : i32
    %c0_i32_0 = arith.constant 0 : i32
    return %arg0, %c0_i32 : i32, i32
  }
  func.func @transform_1(%arg0: i32) -> (i32, i32) {
    %c0_i32 = arith.constant 0 : i32
    %c0_i32_0 = arith.constant 0 : i32
    return %arg0, %c0_i32 : i32, i32
  }
  func.func @transform_2(%arg0: i32) -> (i32, i32) {
    %c0_i32 = arith.constant 0 : i32
    %c0_i32_0 = arith.constant 0 : i32
    return %arg0, %c0_i32 : i32, i32
  }
  func.func @transform_3(%arg0: i32) -> (i32, i32) {
    %c0_i32 = arith.constant 0 : i32
    %c0_i32_0 = arith.constant 0 : i32
    %c0_i32_1 = arith.constant 0 : i32
    return %c0_i32, %c0_i32_0 : i32, i32
  }
  func.func @transform_4(%arg0: i32) -> (i32, i32) {
    %c0_i32 = arith.constant 0 : i32
    %c0_i32_0 = arith.constant 0 : i32
    return %arg0, %c0_i32 : i32, i32
  }
  func.func @transform_5(%arg0: i32) -> (i32, i32) {
    %c0_i32 = arith.constant 0 : i32
    %c0_i32_0 = arith.constant 0 : i32
    %c0_i32_1 = arith.constant 0 : i32
    return %c0_i32, %c0_i32_0 : i32, i32
  }
  func.func @transform_6(%arg0: i32) -> (i32, i32) {
    %c0_i32 = arith.constant 0 : i32
    %c0_i32_0 = arith.constant 0 : i32
    %c0_i32_1 = arith.constant 0 : i32
    return %c0_i32, %c0_i32_0 : i32, i32
  }
}

module attributes {stable_mosaic.version = 14 : i64} {
  func.func @_k4_body(%arg0: i32, %arg1: memref<1600x132xf32, #tpu.memory_space<vmem>>, %arg2: memref<132x132xf32, #tpu.memory_space<vmem>>, %arg3: memref<132x132xf32, #tpu.memory_space<vmem>>, %arg4: memref<8x132xf32, #tpu.memory_space<vmem>>, %arg5: memref<1600x132xf32, #tpu.memory_space<vmem>>, %arg6: memref<8x132xf32, #tpu.memory_space<vmem>>, %arg7: memref<132x132xf32, #tpu.memory_space<vmem>>) attributes {dimension_semantics = [#tpu.dimension_semantics<arbitrary>], iteration_bounds = array<i64: 200>, scalar_prefetch = 0 : i64, scratch_operands = 0 : i64, tpu.core_type = #tpu.core_type<tc>, window_params = [{transform_indices = @transform_0, window_bounds = array<i64: 1600, 132>}, {pipeline_mode = #tpu.pipeline_mode<synchronous>, transform_indices = @transform_1, window_bounds = array<i64: 132, 132>}, {pipeline_mode = #tpu.pipeline_mode<synchronous>, transform_indices = @transform_2, window_bounds = array<i64: 132, 132>}, {pipeline_mode = #tpu.pipeline_mode<synchronous>, transform_indices = @transform_3, window_bounds = array<i64: 8, 132>}, {transform_indices = @transform_4, window_bounds = array<i64: 1600, 132>}, {pipeline_mode = #tpu.pipeline_mode<synchronous>, transform_indices = @transform_5, window_bounds = array<i64: 8, 132>}, {pipeline_mode = #tpu.pipeline_mode<synchronous>, transform_indices = @transform_6, window_bounds = array<i64: 132, 132>}]} {
    %get3A = arith.constant 0 : index
    %get3A_0 = arith.constant 0 : index
    %get3A_1 = vector.load %arg4[%get3A, %get3A_0] : memref<8x132xf32, #tpu.memory_space<vmem>>, vector<8x132xf32>
    %get3A_2 = arith.constant 0 : index
    %get3A_3 = arith.constant 0 : index
    %get3A_4 = vector.load %arg1[%get3A_2, %get3A_3] : memref<1600x132xf32, #tpu.memory_space<vmem>>, vector<1600x132xf32>
    %get3A_5 = arith.constant 0 : index
    %get3A_6 = arith.constant 0 : index
    %get3A_7 = vector.load %arg2[%get3A_5, %get3A_6] : memref<132x132xf32, #tpu.memory_space<vmem>>, vector<132x132xf32>
    %dot_general3A = arith.constant dense<0.000000e+00> : vector<1600x132xf32>
    %dot_general3A_8 = tpu.matmul %get3A_4, %get3A_7, %dot_general3A {dimension_numbers = #tpu.dot_dimension_numbers<[1], [0], [0], [1], [0, 0, 1, 1], [], []>, transpose_lhs_hint = false} : vector<1600x132xf32>, vector<132x132xf32>, vector<1600x132xf32> -> vector<1600x132xf32>
    %slice3A = vector.extract_strided_slice %get3A_1 {offsets = [0, 0], sizes = [1, 132], strides = [1, 1]} : vector<8x132xf32> to vector<1x132xf32>
    %mul3A = vector.broadcast %slice3A : vector<1x132xf32> to vector<1600x132xf32>
    %mul3A_9 = arith.mulf %dot_general3A_8, %mul3A : vector<1600x132xf32>
    %slice3A_10 = vector.extract_strided_slice %get3A_1 {offsets = [1, 0], sizes = [1, 132], strides = [1, 1]} : vector<8x132xf32> to vector<1x132xf32>
    %add3A = vector.broadcast %slice3A_10 : vector<1x132xf32> to vector<1600x132xf32>
    %add3A_11 = arith.addf %mul3A_9, %add3A : vector<1600x132xf32>
    %max3A = arith.constant 0.000000e+00 : f32
    %max3A_12 = vector.broadcast %max3A : f32 to vector<1600x132xf32>
    %max3A_13 = arith.maximumf %add3A_11, %max3A_12 : vector<1600x132xf32>
    %get3A_14 = arith.constant 0 : index
    %get3A_15 = arith.constant 0 : index
    %get3A_16 = vector.load %arg3[%get3A_14, %get3A_15] : memref<132x132xf32, #tpu.memory_space<vmem>>, vector<132x132xf32>
    %dot_general3A_17 = arith.constant dense<0.000000e+00> : vector<1600x132xf32>
    %dot_general3A_18 = tpu.matmul %max3A_13, %get3A_16, %dot_general3A_17 {dimension_numbers = #tpu.dot_dimension_numbers<[1], [0], [0], [1], [0, 0, 1, 1], [], []>, transpose_lhs_hint = false} : vector<1600x132xf32>, vector<132x132xf32>, vector<1600x132xf32> -> vector<1600x132xf32>
    %slice3A_19 = vector.extract_strided_slice %get3A_1 {offsets = [2, 0], sizes = [1, 132], strides = [1, 1]} : vector<8x132xf32> to vector<1x132xf32>
    %add3A_20 = vector.broadcast %slice3A_19 : vector<1x132xf32> to vector<1600x132xf32>
    %add3A_21 = arith.addf %dot_general3A_18, %add3A_20 : vector<1600x132xf32>
    %swap3A = arith.constant 0 : index
    %swap3A_22 = arith.constant 0 : index
    %swap3A_23 = vector.load %arg5[%swap3A, %swap3A_22] : memref<1600x132xf32, #tpu.memory_space<vmem>>, vector<1600x132xf32>
    tpu.vector_store %arg5[%swap3A, %swap3A_22], %add3A_21 {strides = array<i32>} : memref<1600x132xf32, #tpu.memory_space<vmem>>, vector<1600x132xf32>,
    %eq3A = arith.constant 0 : i32
    %eq3A_24 = arith.cmpi eq, %arg0, %eq3A : i32
    %convert_element_type3A = arith.extui %eq3A_24 : i1 to i32
    %cond3A = arith.constant 0 : i32
    %cond3A_25 = arith.cmpi ne, %convert_element_type3A, %cond3A : i32
    scf.if %cond3A_25 {
      %broadcast_in_dim3A_60 = arith.constant 0.000000e+00 : f32
      %broadcast_in_dim3A_61 = vector.broadcast %broadcast_in_dim3A_60 : f32 to vector<8x132xf32>
      %swap3A_62 = arith.constant 0 : index
      %swap3A_63 = arith.constant 0 : index
      %swap3A_64 = vector.load %arg6[%swap3A_62, %swap3A_63] : memref<8x132xf32, #tpu.memory_space<vmem>>, vector<8x132xf32>
      tpu.vector_store %arg6[%swap3A_62, %swap3A_63], %broadcast_in_dim3A_61 {strides = array<i32>} : memref<8x132xf32, #tpu.memory_space<vmem>>, vector<8x132xf32>,
      %broadcast_in_dim3A_65 = arith.constant 0xFF800000 : f32
      %broadcast_in_dim3A_66 = vector.broadcast %broadcast_in_dim3A_65 : f32 to vector<1x132xf32>
      %swap3A_67 = arith.constant 1 : index
      %swap3A_68 = arith.constant 0 : index
      %swap3A_69 = vector.load %arg6[%swap3A_67, %swap3A_68] : memref<8x132xf32, #tpu.memory_space<vmem>>, vector<1x132xf32>
      tpu.vector_store %arg6[%swap3A_67, %swap3A_68], %broadcast_in_dim3A_66 {strides = array<i32>} : memref<8x132xf32, #tpu.memory_space<vmem>>, vector<1x132xf32>,
      %broadcast_in_dim3A_70 = arith.constant 0x7F800000 : f32
      %broadcast_in_dim3A_71 = vector.broadcast %broadcast_in_dim3A_70 : f32 to vector<1x132xf32>
      %swap3A_72 = arith.constant 2 : index
      %swap3A_73 = arith.constant 0 : index
      %swap3A_74 = vector.load %arg6[%swap3A_72, %swap3A_73] : memref<8x132xf32, #tpu.memory_space<vmem>>, vector<1x132xf32>
      tpu.vector_store %arg6[%swap3A_72, %swap3A_73], %broadcast_in_dim3A_71 {strides = array<i32>} : memref<8x132xf32, #tpu.memory_space<vmem>>, vector<1x132xf32>,
      %broadcast_in_dim3A_75 = arith.constant 0.000000e+00 : f32
      %broadcast_in_dim3A_76 = vector.broadcast %broadcast_in_dim3A_75 : f32 to vector<132x132xf32>
      %swap3A_77 = arith.constant 0 : index
      %swap3A_78 = arith.constant 0 : index
      %swap3A_79 = vector.load %arg7[%swap3A_77, %swap3A_78] : memref<132x132xf32, #tpu.memory_space<vmem>>, vector<132x132xf32>
      tpu.vector_store %arg7[%swap3A_77, %swap3A_78], %broadcast_in_dim3A_76 {strides = array<i32>} : memref<132x132xf32, #tpu.memory_space<vmem>>, vector<132x132xf32>,
    } else {
    }
    %get3A_26 = arith.constant 0 : index
    %get3A_27 = arith.constant 0 : index
    %get3A_28 = vector.load %arg6[%get3A_26, %get3A_27] : memref<8x132xf32, #tpu.memory_space<vmem>>, vector<1x132xf32>
    %reduce_sum3A = arith.constant dense<0.000000e+00> : vector<132xf32>
    %reduce_sum3A_29 = vector.multi_reduction <add>, %max3A_13, %reduce_sum3A [0] : vector<1600x132xf32> to vector<132xf32>
    %broadcast_in_dim3A = vector.shape_cast %reduce_sum3A_29 : vector<132xf32> to vector<1x132xf32>
    %add3A_30 = arith.addf %get3A_28, %broadcast_in_dim3A : vector<1x132xf32>
    %swap3A_31 = arith.constant 0 : index
    %swap3A_32 = arith.constant 0 : index
    %swap3A_33 = vector.load %arg6[%swap3A_31, %swap3A_32] : memref<8x132xf32, #tpu.memory_space<vmem>>, vector<1x132xf32>
    tpu.vector_store %arg6[%swap3A_31, %swap3A_32], %add3A_30 {strides = array<i32>} : memref<8x132xf32, #tpu.memory_space<vmem>>, vector<1x132xf32>,
    %get3A_34 = arith.constant 1 : index
    %get3A_35 = arith.constant 0 : index
    %get3A_36 = vector.load %arg6[%get3A_34, %get3A_35] : memref<8x132xf32, #tpu.memory_space<vmem>>, vector<1x132xf32>
    %reduce_max3A = arith.constant dense<0xFF800000> : vector<132xf32>
    %reduce_max3A_37 = vector.multi_reduction <maximumf>, %add3A_21, %reduce_max3A [0] : vector<1600x132xf32> to vector<132xf32>
    %broadcast_in_dim3A_38 = vector.shape_cast %reduce_max3A_37 : vector<132xf32> to vector<1x132xf32>
    %max3A_39 = arith.maximumf %get3A_36, %broadcast_in_dim3A_38 : vector<1x132xf32>
    %swap3A_40 = arith.constant 1 : index
    %swap3A_41 = arith.constant 0 : index
    %swap3A_42 = vector.load %arg6[%swap3A_40, %swap3A_41] : memref<8x132xf32, #tpu.memory_space<vmem>>, vector<1x132xf32>
    tpu.vector_store %arg6[%swap3A_40, %swap3A_41], %max3A_39 {strides = array<i32>} : memref<8x132xf32, #tpu.memory_space<vmem>>, vector<1x132xf32>,
    %get3A_43 = arith.constant 2 : index
    %get3A_44 = arith.constant 0 : index
    %get3A_45 = vector.load %arg6[%get3A_43, %get3A_44] : memref<8x132xf32, #tpu.memory_space<vmem>>, vector<1x132xf32>
    %reduce_min3A = arith.constant dense<0x7F800000> : vector<132xf32>
    %reduce_min3A_46 = vector.multi_reduction <minimumf>, %add3A_21, %reduce_min3A [0] : vector<1600x132xf32> to vector<132xf32>
    %broadcast_in_dim3A_47 = vector.shape_cast %reduce_min3A_46 : vector<132xf32> to vector<1x132xf32>
    %min3A = arith.minimumf %get3A_45, %broadcast_in_dim3A_47 : vector<1x132xf32>
    %swap3A_48 = arith.constant 2 : index
    %swap3A_49 = arith.constant 0 : index
    %swap3A_50 = vector.load %arg6[%swap3A_48, %swap3A_49] : memref<8x132xf32, #tpu.memory_space<vmem>>, vector<1x132xf32>
    tpu.vector_store %arg6[%swap3A_48, %swap3A_49], %min3A {strides = array<i32>} : memref<8x132xf32, #tpu.memory_space<vmem>>, vector<1x132xf32>,
    %get3A_51 = arith.constant 0 : index
    %get3A_52 = arith.constant 0 : index
    %get3A_53 = vector.load %arg7[%get3A_51, %get3A_52] : memref<132x132xf32, #tpu.memory_space<vmem>>, vector<132x132xf32>
    %dot_general3A_54 = arith.constant dense<0.000000e+00> : vector<132x132xf32>
    %dot_general3A_55 = tpu.matmul %max3A_13, %max3A_13, %dot_general3A_54 {dimension_numbers = #tpu.dot_dimension_numbers<[0], [0], [1], [1], [0, 1, 1, 1], [], []>, transpose_lhs_hint = false} : vector<1600x132xf32>, vector<1600x132xf32>, vector<132x132xf32> -> vector<132x132xf32>
    %add3A_56 = arith.addf %get3A_53, %dot_general3A_55 : vector<132x132xf32>
    %swap3A_57 = arith.constant 0 : index
    %swap3A_58 = arith.constant 0 : index
    %swap3A_59 = vector.load %arg7[%swap3A_57, %swap3A_58] : memref<132x132xf32, #tpu.memory_space<vmem>>, vector<132x132xf32>
    tpu.vector_store %arg7[%swap3A_57, %swap3A_58], %add3A_56 {strides = array<i32>} : memref<132x132xf32, #tpu.memory_space<vmem>>, vector<132x132xf32>,
    return
  }
  func.func @transform_0(%arg0: i32) -> (i32, i32) {
    %c0_i32 = arith.constant 0 : i32
    %c0_i32_0 = arith.constant 0 : i32
    return %arg0, %c0_i32 : i32, i32
  }
  func.func @transform_1(%arg0: i32) -> (i32, i32) {
    %c0_i32 = arith.constant 0 : i32
    %c0_i32_0 = arith.constant 0 : i32
    %c0_i32_1 = arith.constant 0 : i32
    return %c0_i32, %c0_i32_0 : i32, i32
  }
  func.func @transform_2(%arg0: i32) -> (i32, i32) {
    %c0_i32 = arith.constant 0 : i32
    %c0_i32_0 = arith.constant 0 : i32
    %c0_i32_1 = arith.constant 0 : i32
    return %c0_i32, %c0_i32_0 : i32, i32
  }
  func.func @transform_3(%arg0: i32) -> (i32, i32) {
    %c0_i32 = arith.constant 0 : i32
    %c0_i32_0 = arith.constant 0 : i32
    %c0_i32_1 = arith.constant 0 : i32
    return %c0_i32, %c0_i32_0 : i32, i32
  }
  func.func @transform_4(%arg0: i32) -> (i32, i32) {
    %c0_i32 = arith.constant 0 : i32
    %c0_i32_0 = arith.constant 0 : i32
    return %arg0, %c0_i32 : i32, i32
  }
  func.func @transform_5(%arg0: i32) -> (i32, i32) {
    %c0_i32 = arith.constant 0 : i32
    %c0_i32_0 = arith.constant 0 : i32
    %c0_i32_1 = arith.constant 0 : i32
    return %c0_i32, %c0_i32_0 : i32, i32
  }
  func.func @transform_6(%arg0: i32) -> (i32, i32) {
    %c0_i32 = arith.constant 0 : i32
    %c0_i32_0 = arith.constant 0 : i32
    %c0_i32_1 = arith.constant 0 : i32
    return %c0_i32, %c0_i32_0 : i32, i32
  }
}

module attributes {stable_mosaic.version = 14 : i64} {
  func.func @_k5_body(%arg0: i32, %arg1: memref<1600x132xf32, #tpu.memory_space<vmem>>, %arg2: memref<1600x132xf32, #tpu.memory_space<vmem>>, %arg3: memref<8x132xf32, #tpu.memory_space<vmem>>, %arg4: memref<1600x132xf32, #tpu.memory_space<vmem>>, %arg5: memref<8x132xf32, #tpu.memory_space<vmem>>, %arg6: memref<132x132xf32, #tpu.memory_space<vmem>>) attributes {dimension_semantics = [#tpu.dimension_semantics<arbitrary>], iteration_bounds = array<i64: 200>, scalar_prefetch = 0 : i64, scratch_operands = 0 : i64, tpu.core_type = #tpu.core_type<tc>, window_params = [{transform_indices = @transform_0, window_bounds = array<i64: 1600, 132>}, {transform_indices = @transform_1, window_bounds = array<i64: 1600, 132>}, {pipeline_mode = #tpu.pipeline_mode<synchronous>, transform_indices = @transform_2, window_bounds = array<i64: 8, 132>}, {transform_indices = @transform_3, window_bounds = array<i64: 1600, 132>}, {pipeline_mode = #tpu.pipeline_mode<synchronous>, transform_indices = @transform_4, window_bounds = array<i64: 8, 132>}, {pipeline_mode = #tpu.pipeline_mode<synchronous>, transform_indices = @transform_5, window_bounds = array<i64: 132, 132>}]} {
    %get3A = arith.constant 0 : index
    %get3A_0 = arith.constant 0 : index
    %get3A_1 = vector.load %arg3[%get3A, %get3A_0] : memref<8x132xf32, #tpu.memory_space<vmem>>, vector<8x132xf32>
    %get3A_2 = arith.constant 0 : index
    %get3A_3 = arith.constant 0 : index
    %get3A_4 = vector.load %arg1[%get3A_2, %get3A_3] : memref<1600x132xf32, #tpu.memory_space<vmem>>, vector<1600x132xf32>
    %slice3A = vector.extract_strided_slice %get3A_1 {offsets = [0, 0], sizes = [1, 132], strides = [1, 1]} : vector<8x132xf32> to vector<1x132xf32>
    %mul3A = vector.broadcast %slice3A : vector<1x132xf32> to vector<1600x132xf32>
    %mul3A_5 = arith.mulf %get3A_4, %mul3A : vector<1600x132xf32>
    %slice3A_6 = vector.extract_strided_slice %get3A_1 {offsets = [1, 0], sizes = [1, 132], strides = [1, 1]} : vector<8x132xf32> to vector<1x132xf32>
    %add3A = vector.broadcast %slice3A_6 : vector<1x132xf32> to vector<1600x132xf32>
    %add3A_7 = arith.addf %mul3A_5, %add3A : vector<1600x132xf32>
    %get3A_8 = arith.constant 0 : index
    %get3A_9 = arith.constant 0 : index
    %get3A_10 = vector.load %arg2[%get3A_8, %get3A_9] : memref<1600x132xf32, #tpu.memory_space<vmem>>, vector<1600x132xf32>
    %add3A_11 = arith.addf %add3A_7, %get3A_10 : vector<1600x132xf32>
    %max3A = arith.constant 0.000000e+00 : f32
    %max3A_12 = vector.broadcast %max3A : f32 to vector<1600x132xf32>
    %max3A_13 = arith.maximumf %add3A_11, %max3A_12 : vector<1600x132xf32>
    %swap3A = arith.constant 0 : index
    %swap3A_14 = arith.constant 0 : index
    %swap3A_15 = vector.load %arg4[%swap3A, %swap3A_14] : memref<1600x132xf32, #tpu.memory_space<vmem>>, vector<1600x132xf32>
    tpu.vector_store %arg4[%swap3A, %swap3A_14], %max3A_13 {strides = array<i32>} : memref<1600x132xf32, #tpu.memory_space<vmem>>, vector<1600x132xf32>,
    %eq3A = arith.constant 0 : i32
    %eq3A_16 = arith.cmpi eq, %arg0, %eq3A : i32
    %convert_element_type3A = arith.extui %eq3A_16 : i1 to i32
    %cond3A = arith.constant 0 : i32
    %cond3A_17 = arith.cmpi ne, %convert_element_type3A, %cond3A : i32
    scf.if %cond3A_17 {
      %broadcast_in_dim3A_43 = arith.constant 0.000000e+00 : f32
      %broadcast_in_dim3A_44 = vector.broadcast %broadcast_in_dim3A_43 : f32 to vector<8x132xf32>
      %swap3A_45 = arith.constant 0 : index
      %swap3A_46 = arith.constant 0 : index
      %swap3A_47 = vector.load %arg5[%swap3A_45, %swap3A_46] : memref<8x132xf32, #tpu.memory_space<vmem>>, vector<8x132xf32>
      tpu.vector_store %arg5[%swap3A_45, %swap3A_46], %broadcast_in_dim3A_44 {strides = array<i32>} : memref<8x132xf32, #tpu.memory_space<vmem>>, vector<8x132xf32>,
      %broadcast_in_dim3A_48 = arith.constant 0.000000e+00 : f32
      %broadcast_in_dim3A_49 = vector.broadcast %broadcast_in_dim3A_48 : f32 to vector<132x132xf32>
      %swap3A_50 = arith.constant 0 : index
      %swap3A_51 = arith.constant 0 : index
      %swap3A_52 = vector.load %arg6[%swap3A_50, %swap3A_51] : memref<132x132xf32, #tpu.memory_space<vmem>>, vector<132x132xf32>
      tpu.vector_store %arg6[%swap3A_50, %swap3A_51], %broadcast_in_dim3A_49 {strides = array<i32>} : memref<132x132xf32, #tpu.memory_space<vmem>>, vector<132x132xf32>,
    } else {
    }
    %get3A_18 = arith.constant 0 : index
    %get3A_19 = arith.constant 0 : index
    %get3A_20 = vector.load %arg5[%get3A_18, %get3A_19] : memref<8x132xf32, #tpu.memory_space<vmem>>, vector<1x132xf32>
    %reduce_sum3A = arith.constant dense<0.000000e+00> : vector<132xf32>
    %reduce_sum3A_21 = vector.multi_reduction <add>, %max3A_13, %reduce_sum3A [0] : vector<1600x132xf32> to vector<132xf32>
    %broadcast_in_dim3A = vector.shape_cast %reduce_sum3A_21 : vector<132xf32> to vector<1x132xf32>
    %add3A_22 = arith.addf %get3A_20, %broadcast_in_dim3A : vector<1x132xf32>
    %swap3A_23 = arith.constant 0 : index
    %swap3A_24 = arith.constant 0 : index
    %swap3A_25 = vector.load %arg5[%swap3A_23, %swap3A_24] : memref<8x132xf32, #tpu.memory_space<vmem>>, vector<1x132xf32>
    tpu.vector_store %arg5[%swap3A_23, %swap3A_24], %add3A_22 {strides = array<i32>} : memref<8x132xf32, #tpu.memory_space<vmem>>, vector<1x132xf32>,
    %get3A_26 = arith.constant 1 : index
    %get3A_27 = arith.constant 0 : index
    %get3A_28 = vector.load %arg5[%get3A_26, %get3A_27] : memref<8x132xf32, #tpu.memory_space<vmem>>, vector<1x132xf32>
    %reduce_max3A = arith.constant dense<0xFF800000> : vector<132xf32>
    %reduce_max3A_29 = vector.multi_reduction <maximumf>, %max3A_13, %reduce_max3A [0] : vector<1600x132xf32> to vector<132xf32>
    %broadcast_in_dim3A_30 = vector.shape_cast %reduce_max3A_29 : vector<132xf32> to vector<1x132xf32>
    %max3A_31 = arith.maximumf %get3A_28, %broadcast_in_dim3A_30 : vector<1x132xf32>
    %swap3A_32 = arith.constant 1 : index
    %swap3A_33 = arith.constant 0 : index
    %swap3A_34 = vector.load %arg5[%swap3A_32, %swap3A_33] : memref<8x132xf32, #tpu.memory_space<vmem>>, vector<1x132xf32>
    tpu.vector_store %arg5[%swap3A_32, %swap3A_33], %max3A_31 {strides = array<i32>} : memref<8x132xf32, #tpu.memory_space<vmem>>, vector<1x132xf32>,
    %get3A_35 = arith.constant 0 : index
    %get3A_36 = arith.constant 0 : index
    %get3A_37 = vector.load %arg6[%get3A_35, %get3A_36] : memref<132x132xf32, #tpu.memory_space<vmem>>, vector<132x132xf32>
    %dot_general3A = arith.constant dense<0.000000e+00> : vector<132x132xf32>
    %dot_general3A_38 = tpu.matmul %max3A_13, %max3A_13, %dot_general3A {dimension_numbers = #tpu.dot_dimension_numbers<[0], [0], [1], [1], [0, 1, 1, 1], [], []>, transpose_lhs_hint = false} : vector<1600x132xf32>, vector<1600x132xf32>, vector<132x132xf32> -> vector<132x132xf32>
    %add3A_39 = arith.addf %get3A_37, %dot_general3A_38 : vector<132x132xf32>
    %swap3A_40 = arith.constant 0 : index
    %swap3A_41 = arith.constant 0 : index
    %swap3A_42 = vector.load %arg6[%swap3A_40, %swap3A_41] : memref<132x132xf32, #tpu.memory_space<vmem>>, vector<132x132xf32>
    tpu.vector_store %arg6[%swap3A_40, %swap3A_41], %add3A_39 {strides = array<i32>} : memref<132x132xf32, #tpu.memory_space<vmem>>, vector<132x132xf32>,
    return
  }
  func.func @transform_0(%arg0: i32) -> (i32, i32) {
    %c0_i32 = arith.constant 0 : i32
    %c0_i32_0 = arith.constant 0 : i32
    return %arg0, %c0_i32 : i32, i32
  }
  func.func @transform_1(%arg0: i32) -> (i32, i32) {
    %c0_i32 = arith.constant 0 : i32
    %c0_i32_0 = arith.constant 0 : i32
    return %arg0, %c0_i32 : i32, i32
  }
  func.func @transform_2(%arg0: i32) -> (i32, i32) {
    %c0_i32 = arith.constant 0 : i32
    %c0_i32_0 = arith.constant 0 : i32
    %c0_i32_1 = arith.constant 0 : i32
    return %c0_i32, %c0_i32_0 : i32, i32
  }
  func.func @transform_3(%arg0: i32) -> (i32, i32) {
    %c0_i32 = arith.constant 0 : i32
    %c0_i32_0 = arith.constant 0 : i32
    return %arg0, %c0_i32 : i32, i32
  }
  func.func @transform_4(%arg0: i32) -> (i32, i32) {
    %c0_i32 = arith.constant 0 : i32
    %c0_i32_0 = arith.constant 0 : i32
    %c0_i32_1 = arith.constant 0 : i32
    return %c0_i32, %c0_i32_0 : i32, i32
  }
  func.func @transform_5(%arg0: i32) -> (i32, i32) {
    %c0_i32 = arith.constant 0 : i32
    %c0_i32_0 = arith.constant 0 : i32
    %c0_i32_1 = arith.constant 0 : i32
    return %c0_i32, %c0_i32_0 : i32, i32
  }
}

module attributes {stable_mosaic.version = 14 : i64} {
  func.func @_k78_body(%arg0: i32, %arg1: memref<1600x132xf32, #tpu.memory_space<vmem>>, %arg2: memref<1600x132xf32, #tpu.memory_space<vmem>>, %arg3: memref<8x132xf32, #tpu.memory_space<vmem>>, %arg4: memref<1600x128xf32, #tpu.memory_space<vmem>>, %arg5: memref<1600x128xf32, #tpu.memory_space<vmem>>, %arg6: memref<1600x128xf32, #tpu.memory_space<vmem>>, %arg7: memref<1600x128xf32, #tpu.memory_space<vmem>>) attributes {dimension_semantics = [#tpu.dimension_semantics<arbitrary>], iteration_bounds = array<i64: 200>, scalar_prefetch = 0 : i64, scratch_operands = 0 : i64, tpu.core_type = #tpu.core_type<tc>, window_params = [{transform_indices = @transform_0, window_bounds = array<i64: 1600, 132>}, {transform_indices = @transform_1, window_bounds = array<i64: 1600, 132>}, {pipeline_mode = #tpu.pipeline_mode<synchronous>, transform_indices = @transform_2, window_bounds = array<i64: 8, 132>}, {transform_indices = @transform_3, window_bounds = array<i64: 1600, 128>}, {transform_indices = @transform_4, window_bounds = array<i64: 1600, 128>}, {transform_indices = @transform_5, window_bounds = array<i64: 1600, 128>}, {transform_indices = @transform_6, window_bounds = array<i64: 1600, 128>}]} {
    %get3A = arith.constant 0 : index
    %get3A_0 = arith.constant 0 : index
    %get3A_1 = vector.load %arg3[%get3A, %get3A_0] : memref<8x132xf32, #tpu.memory_space<vmem>>, vector<8x132xf32>
    %get3A_2 = arith.constant 0 : index
    %get3A_3 = arith.constant 0 : index
    %get3A_4 = vector.load %arg1[%get3A_2, %get3A_3] : memref<1600x132xf32, #tpu.memory_space<vmem>>, vector<1600x132xf32>
    %slice3A = vector.extract_strided_slice %get3A_1 {offsets = [0, 0], sizes = [1, 132], strides = [1, 1]} : vector<8x132xf32> to vector<1x132xf32>
    %mul3A = vector.broadcast %slice3A : vector<1x132xf32> to vector<1600x132xf32>
    %mul3A_5 = arith.mulf %get3A_4, %mul3A : vector<1600x132xf32>
    %slice3A_6 = vector.extract_strided_slice %get3A_1 {offsets = [1, 0], sizes = [1, 132], strides = [1, 1]} : vector<8x132xf32> to vector<1x132xf32>
    %add3A = vector.broadcast %slice3A_6 : vector<1x132xf32> to vector<1600x132xf32>
    %add3A_7 = arith.addf %mul3A_5, %add3A : vector<1600x132xf32>
    %get3A_8 = arith.constant 0 : index
    %get3A_9 = arith.constant 0 : index
    %get3A_10 = vector.load %arg2[%get3A_8, %get3A_9] : memref<1600x132xf32, #tpu.memory_space<vmem>>, vector<1600x132xf32>
    %add3A_11 = arith.addf %add3A_7, %get3A_10 : vector<1600x132xf32>
    %max3A = arith.constant 0.000000e+00 : f32
    %max3A_12 = vector.broadcast %max3A : f32 to vector<1600x132xf32>
    %max3A_13 = arith.maximumf %add3A_11, %max3A_12 : vector<1600x132xf32>
    %slice3A_14 = vector.extract_strided_slice %get3A_1 {offsets = [2, 0], sizes = [1, 132], strides = [1, 1]} : vector<8x132xf32> to vector<1x132xf32>
    %mul3A_15 = vector.broadcast %slice3A_14 : vector<1x132xf32> to vector<1600x132xf32>
    %mul3A_16 = arith.mulf %max3A_13, %mul3A_15 : vector<1600x132xf32>
    %slice3A_17 = vector.extract_strided_slice %get3A_1 {offsets = [3, 0], sizes = [1, 132], strides = [1, 1]} : vector<8x132xf32> to vector<1x132xf32>
    %sub3A = vector.broadcast %slice3A_17 : vector<1x132xf32> to vector<1600x132xf32>
    %sub3A_18 = arith.subf %mul3A_16, %sub3A : vector<1600x132xf32>
    %exp3A = math.exp %sub3A_18 : vector<1600x132xf32>
    %mul3A_19 = arith.mulf %exp3A, %max3A_13 : vector<1600x132xf32>
    %broadcast_in_dim3A = arith.constant 1.000000e+00 : f32
    %broadcast_in_dim3A_20 = vector.broadcast %broadcast_in_dim3A : f32 to vector<1600x1xf32>
    %broadcast_in_dim3A_21 = arith.constant 0.000000e+00 : f32
    %broadcast_in_dim3A_22 = vector.broadcast %broadcast_in_dim3A_21 : f32 to vector<1600x115xf32>
    %slice3A_23 = vector.extract_strided_slice %exp3A {offsets = [0, 0], sizes = [1600, 128], strides = [1, 1]} : vector<1600x132xf32> to vector<1600x128xf32>
    %swap3A = arith.constant 0 : index
    %swap3A_24 = arith.constant 0 : index
    %swap3A_25 = vector.load %arg4[%swap3A, %swap3A_24] : memref<1600x128xf32, #tpu.memory_space<vmem>>, vector<1600x128xf32>
    tpu.vector_store %arg4[%swap3A, %swap3A_24], %slice3A_23 {strides = array<i32>} : memref<1600x128xf32, #tpu.memory_space<vmem>>, vector<1600x128xf32>,
    %slice3A_26 = vector.extract_strided_slice %mul3A_19 {offsets = [0, 0], sizes = [1600, 128], strides = [1, 1]} : vector<1600x132xf32> to vector<1600x128xf32>
    %swap3A_27 = arith.constant 0 : index
    %swap3A_28 = arith.constant 0 : index
    %swap3A_29 = vector.load %arg5[%swap3A_27, %swap3A_28] : memref<1600x128xf32, #tpu.memory_space<vmem>>, vector<1600x128xf32>
    tpu.vector_store %arg5[%swap3A_27, %swap3A_28], %slice3A_26 {strides = array<i32>} : memref<1600x128xf32, #tpu.memory_space<vmem>>, vector<1600x128xf32>,
    %slice3A_30 = vector.extract_strided_slice %max3A_13 {offsets = [0, 0], sizes = [1600, 128], strides = [1, 1]} : vector<1600x132xf32> to vector<1600x128xf32>
    %swap3A_31 = arith.constant 0 : index
    %swap3A_32 = arith.constant 0 : index
    %swap3A_33 = vector.load %arg6[%swap3A_31, %swap3A_32] : memref<1600x128xf32, #tpu.memory_space<vmem>>, vector<1600x128xf32>
    tpu.vector_store %arg6[%swap3A_31, %swap3A_32], %slice3A_30 {strides = array<i32>} : memref<1600x128xf32, #tpu.memory_space<vmem>>, vector<1600x128xf32>,
    %slice3A_34 = vector.extract_strided_slice %exp3A {offsets = [0, 128], sizes = [1600, 4], strides = [1, 1]} : vector<1600x132xf32> to vector<1600x4xf32>
    %slice3A_35 = vector.extract_strided_slice %mul3A_19 {offsets = [0, 128], sizes = [1600, 4], strides = [1, 1]} : vector<1600x132xf32> to vector<1600x4xf32>
    %slice3A_36 = vector.extract_strided_slice %max3A_13 {offsets = [0, 128], sizes = [1600, 4], strides = [1, 1]} : vector<1600x132xf32> to vector<1600x4xf32>
    %concatenate3A = tpu.concatenate %slice3A_34, %slice3A_35, %slice3A_36, %broadcast_in_dim3A_20, %broadcast_in_dim3A_22 in 1 : vector<1600x4xf32>, vector<1600x4xf32>, vector<1600x4xf32>, vector<1600x1xf32>, vector<1600x115xf32> -> vector<1600x128xf32>
    %swap3A_37 = arith.constant 0 : index
    %swap3A_38 = arith.constant 0 : index
    %swap3A_39 = vector.load %arg7[%swap3A_37, %swap3A_38] : memref<1600x128xf32, #tpu.memory_space<vmem>>, vector<1600x128xf32>
    tpu.vector_store %arg7[%swap3A_37, %swap3A_38], %concatenate3A {strides = array<i32>} : memref<1600x128xf32, #tpu.memory_space<vmem>>, vector<1600x128xf32>,
    return
  }
  func.func @transform_0(%arg0: i32) -> (i32, i32) {
    %c0_i32 = arith.constant 0 : i32
    %c0_i32_0 = arith.constant 0 : i32
    return %arg0, %c0_i32 : i32, i32
  }
  func.func @transform_1(%arg0: i32) -> (i32, i32) {
    %c0_i32 = arith.constant 0 : i32
    %c0_i32_0 = arith.constant 0 : i32
    return %arg0, %c0_i32 : i32, i32
  }
  func.func @transform_2(%arg0: i32) -> (i32, i32) {
    %c0_i32 = arith.constant 0 : i32
    %c0_i32_0 = arith.constant 0 : i32
    %c0_i32_1 = arith.constant 0 : i32
    return %c0_i32, %c0_i32_0 : i32, i32
  }
  func.func @transform_3(%arg0: i32) -> (i32, i32) {
    %c0_i32 = arith.constant 0 : i32
    %c0_i32_0 = arith.constant 0 : i32
    return %arg0, %c0_i32 : i32, i32
  }
  func.func @transform_4(%arg0: i32) -> (i32, i32) {
    %c0_i32 = arith.constant 0 : i32
    %c0_i32_0 = arith.constant 0 : i32
    return %arg0, %c0_i32 : i32, i32
  }
  func.func @transform_5(%arg0: i32) -> (i32, i32) {
    %c0_i32 = arith.constant 0 : i32
    %c0_i32_0 = arith.constant 0 : i32
    return %arg0, %c0_i32 : i32, i32
  }
  func.func @transform_6(%arg0: i32) -> (i32, i32) {
    %c0_i32 = arith.constant 0 : i32
    %c0_i32_0 = arith.constant 0 : i32
    return %arg0, %c0_i32 : i32, i32
  }
}

module attributes {stable_mosaic.version = 14 : i64} {
  func.func @_k9_body(%arg0: i32, %arg1: memref<2x1000x128xf32, #tpu.memory_space<vmem>>, %arg2: memref<2x1000x128xf32, #tpu.memory_space<vmem>>, %arg3: memref<2x1000x128xf32, #tpu.memory_space<vmem>>, %arg4: memref<2x1000x128xf32, #tpu.memory_space<vmem>>, %arg5: memref<1000x132xf32, #tpu.memory_space<vmem>>) attributes {dimension_semantics = [#tpu.dimension_semantics<arbitrary>], iteration_bounds = array<i64: 10>, scalar_prefetch = 0 : i64, scratch_operands = 0 : i64, tpu.core_type = #tpu.core_type<tc>, window_params = [{transform_indices = @transform_0, window_bounds = array<i64: 2, 1000, 128>}, {transform_indices = @transform_1, window_bounds = array<i64: 2, 1000, 128>}, {transform_indices = @transform_2, window_bounds = array<i64: 2, 1000, 128>}, {transform_indices = @transform_3, window_bounds = array<i64: 2, 1000, 128>}, {transform_indices = @transform_4, window_bounds = array<i64: 1000, 132>}]} {
    %get3A = arith.constant 0 : index
    %get3A_0 = arith.constant 0 : index
    %get3A_1 = arith.constant 0 : index
    %get3A_2 = vector.load %arg4[%get3A, %get3A_0, %get3A_1] : memref<2x1000x128xf32, #tpu.memory_space<vmem>>, vector<1x1000x128xf32>
    %get3A_3 = vector.shape_cast %get3A_2 : vector<1x1000x128xf32> to vector<1000x128xf32>
    %get3A_4 = arith.constant 1 : index
    %get3A_5 = arith.constant 0 : index
    %get3A_6 = arith.constant 0 : index
    %get3A_7 = vector.load %arg4[%get3A_4, %get3A_5, %get3A_6] : memref<2x1000x128xf32, #tpu.memory_space<vmem>>, vector<1x1000x128xf32>
    %get3A_8 = vector.shape_cast %get3A_7 : vector<1x1000x128xf32> to vector<1000x128xf32>
    %add3A = arith.addf %get3A_3, %get3A_8 : vector<1000x128xf32>
    %get3A_9 = arith.constant 0 : index
    %get3A_10 = arith.constant 0 : index
    %get3A_11 = arith.constant 0 : index
    %get3A_12 = vector.load %arg1[%get3A_9, %get3A_10, %get3A_11] : memref<2x1000x128xf32, #tpu.memory_space<vmem>>, vector<1x1000x128xf32>
    %get3A_13 = vector.shape_cast %get3A_12 : vector<1x1000x128xf32> to vector<1000x128xf32>
    %get3A_14 = arith.constant 1 : index
    %get3A_15 = arith.constant 0 : index
    %get3A_16 = arith.constant 0 : index
    %get3A_17 = vector.load %arg1[%get3A_14, %get3A_15, %get3A_16] : memref<2x1000x128xf32, #tpu.memory_space<vmem>>, vector<1x1000x128xf32>
    %get3A_18 = vector.shape_cast %get3A_17 : vector<1x1000x128xf32> to vector<1000x128xf32>
    %add3A_19 = arith.addf %get3A_13, %get3A_18 : vector<1000x128xf32>
    %slice3A = vector.extract_strided_slice %add3A {offsets = [0, 0], sizes = [1000, 4], strides = [1, 1]} : vector<1000x128xf32> to vector<1000x4xf32>
    %concatenate3A = tpu.concatenate %add3A_19, %slice3A in 1 : vector<1000x128xf32>, vector<1000x4xf32> -> vector<1000x132xf32>
    %get3A_20 = arith.constant 0 : index
    %get3A_21 = arith.constant 0 : index
    %get3A_22 = arith.constant 0 : index
    %get3A_23 = vector.load %arg2[%get3A_20, %get3A_21, %get3A_22] : memref<2x1000x128xf32, #tpu.memory_space<vmem>>, vector<1x1000x128xf32>
    %get3A_24 = vector.shape_cast %get3A_23 : vector<1x1000x128xf32> to vector<1000x128xf32>
    %get3A_25 = arith.constant 1 : index
    %get3A_26 = arith.constant 0 : index
    %get3A_27 = arith.constant 0 : index
    %get3A_28 = vector.load %arg2[%get3A_25, %get3A_26, %get3A_27] : memref<2x1000x128xf32, #tpu.memory_space<vmem>>, vector<1x1000x128xf32>
    %get3A_29 = vector.shape_cast %get3A_28 : vector<1x1000x128xf32> to vector<1000x128xf32>
    %add3A_30 = arith.addf %get3A_24, %get3A_29 : vector<1000x128xf32>
    %slice3A_31 = vector.extract_strided_slice %add3A {offsets = [0, 4], sizes = [1000, 4], strides = [1, 1]} : vector<1000x128xf32> to vector<1000x4xf32>
    %concatenate3A_32 = tpu.concatenate %add3A_30, %slice3A_31 in 1 : vector<1000x128xf32>, vector<1000x4xf32> -> vector<1000x132xf32>
    %get3A_33 = arith.constant 0 : index
    %get3A_34 = arith.constant 0 : index
    %get3A_35 = arith.constant 0 : index
    %get3A_36 = vector.load %arg3[%get3A_33, %get3A_34, %get3A_35] : memref<2x1000x128xf32, #tpu.memory_space<vmem>>, vector<1x1000x128xf32>
    %get3A_37 = vector.shape_cast %get3A_36 : vector<1x1000x128xf32> to vector<1000x128xf32>
    %get3A_38 = arith.constant 1 : index
    %get3A_39 = arith.constant 0 : index
    %get3A_40 = arith.constant 0 : index
    %get3A_41 = vector.load %arg3[%get3A_38, %get3A_39, %get3A_40] : memref<2x1000x128xf32, #tpu.memory_space<vmem>>, vector<1x1000x128xf32>
    %get3A_42 = vector.shape_cast %get3A_41 : vector<1x1000x128xf32> to vector<1000x128xf32>
    %add3A_43 = arith.addf %get3A_37, %get3A_42 : vector<1000x128xf32>
    %slice3A_44 = vector.extract_strided_slice %add3A {offsets = [0, 8], sizes = [1000, 4], strides = [1, 1]} : vector<1000x128xf32> to vector<1000x4xf32>
    %concatenate3A_45 = tpu.concatenate %add3A_43, %slice3A_44 in 1 : vector<1000x128xf32>, vector<1000x4xf32> -> vector<1000x132xf32>
    %slice3A_46 = vector.extract_strided_slice %add3A {offsets = [0, 12], sizes = [1000, 1], strides = [1, 1]} : vector<1000x128xf32> to vector<1000x1xf32>
    %add3A_47 = arith.constant 1.000000e-16 : f32
    %add3A_48 = vector.broadcast %add3A_47 : f32 to vector<1000x132xf32>
    %add3A_49 = arith.addf %concatenate3A, %add3A_48 : vector<1000x132xf32>
    %div3A = arith.divf %concatenate3A_32, %add3A_49 : vector<1000x132xf32>
    %add3A_50 = arith.constant 1.000000e-16 : f32
    %add3A_51 = vector.broadcast %add3A_50 : f32 to vector<1000x1xf32>
    %add3A_52 = arith.addf %slice3A_46, %add3A_51 : vector<1000x1xf32>
    %div3A_53 = vector.broadcast %add3A_52 : vector<1000x1xf32> to vector<1000x132xf32>
    %div3A_54 = arith.divf %concatenate3A_45, %div3A_53 : vector<1000x132xf32>
    %add3A_55 = arith.addf %div3A, %div3A_54 : vector<1000x132xf32>
    %swap3A = arith.constant 0 : index
    %swap3A_56 = arith.constant 0 : index
    %swap3A_57 = vector.load %arg5[%swap3A, %swap3A_56] : memref<1000x132xf32, #tpu.memory_space<vmem>>, vector<1000x132xf32>
    tpu.vector_store %arg5[%swap3A, %swap3A_56], %add3A_55 {strides = array<i32>} : memref<1000x132xf32, #tpu.memory_space<vmem>>, vector<1000x132xf32>,
    return
  }
  func.func @transform_0(%arg0: i32) -> (i32, i32, i32) {
    %c0_i32 = arith.constant 0 : i32
    %c0_i32_0 = arith.constant 0 : i32
    %c0_i32_1 = arith.constant 0 : i32
    return %c0_i32, %arg0, %c0_i32_0 : i32, i32, i32
  }
  func.func @transform_1(%arg0: i32) -> (i32, i32, i32) {
    %c0_i32 = arith.constant 0 : i32
    %c0_i32_0 = arith.constant 0 : i32
    %c0_i32_1 = arith.constant 0 : i32
    return %c0_i32, %arg0, %c0_i32_0 : i32, i32, i32
  }
  func.func @transform_2(%arg0: i32) -> (i32, i32, i32) {
    %c0_i32 = arith.constant 0 : i32
    %c0_i32_0 = arith.constant 0 : i32
    %c0_i32_1 = arith.constant 0 : i32
    return %c0_i32, %arg0, %c0_i32_0 : i32, i32, i32
  }
  func.func @transform_3(%arg0: i32) -> (i32, i32, i32) {
    %c0_i32 = arith.constant 0 : i32
    %c0_i32_0 = arith.constant 0 : i32
    %c0_i32_1 = arith.constant 0 : i32
    return %c0_i32, %arg0, %c0_i32_0 : i32, i32, i32
  }
  func.func @transform_4(%arg0: i32) -> (i32, i32) {
    %c0_i32 = arith.constant 0 : i32
    %c0_i32_0 = arith.constant 0 : i32
    return %arg0, %c0_i32 : i32, i32
  }
}

</mosaic_0001>

<sc_bundles>
// kernel: kernel.11.cloned.1.call-start
scs
__scs_entry_jumppad:
0x0: {  	(pc) =	sbr.rel $0x88, $3  }
0x1: {  	(tag) =	ssettag $0x0;
	lr =	simm.s32 $0x1  }
0x2: {  	[smem:$0x3F8E] =	sst lr;
	_ =	strace $0xD0000000  }
0x3: {  	_ = 	snop  }
0x4: {  	_ = 	snop  }
0x5: {  	_ = 	snop  }
0x6: {  	_ = 	snop  }
0x7: {  	_ = 	snop  }
__scs_overlays_trampoline_lowered:
0x8: {  	[smem:$0x3F9D] =	sst s0  }
0x9: {  	[smem:$0x3F9E] =	sst s1  }
0xa: {  	[smem:$0x3F9F] =	sst s2  }
0xb: {  	[smem:$0x3FA0] =	sst s3  }
0xc: {  	[smem:$0x3FA1] =	sst s4  }
0xd: {  	[smem:$0x3FA2] =	sst s5  }
0xe: {  	[smem:$0x3FA3] =	sst s6  }
0xf: {  	[smem:$0x3FA4] =	sst s7  }
0x10: {  	[smem:$0x3FA5] =	sst s8  }
0x11: {  	[smem:$0x3FA6] =	sst s9;
	s0 =	simm.s32 @!p0 $0x0  }
0x12: {  	s1 =	sld [smem:$0x3F8C];
	s0 =	simm.s32 @p0 $0x1  }
0x13: {  	[smem:$0x3FA7] =	sst s0;
	s0 =	simm.s32 @!p1 $0x0  }
0x14: {  	s2 =	sld [smem:$0x3F8B];
	s0 =	simm.s32 @p1 $0x1  }
0x15: {  	[smem:$0x3FA8] =	sst s0;
	s0 =	simm.s32 @!p2 $0x0  }
0x16: {  	s3 =	sld [smem:$0x3FDB];
	s0 =	simm.s32 @p2 $0x1  }
0x17: {  	s4 =	simm.s32 $0x1BF5;
	[smem:$0x3FAA] =	sst s0  }
0x18: {  	s0 =	sld [smem:$0x3F8D];
	_ =	swait.ge [sflag:s4], $0x0  }
0x19: {  	s7 =	sld [smem:$0x3F8E]  }
0x1a: {  	s8 =	sadd.s32 $0xFFFFE003, lr  }
0x1b: {  	s9 =	sadd.s32 $0xFFFFFEF7, lr;
	s5 =	simm.s32 $0xFFFFFFFF;
	p2 =	slt.u32 s8, $0xFFFFF086  }
0x1c: {  	p1 =	slt.u32 s9, $0xF7A;
	s5 =	simm.s32 @!p2 $0x0  }
0x1d: {  	s5 =	simm.s32 @p1 $0x1;
	p0 =	seq.s32 s7, s2  }
0x1e: {  	s7 =	smul.u32 @!p0 $0xF7A, s2;
	p2 =	seq.s32 @!p0 s5, $0x0  }
0x1f: {  	s9 =	smul.u32 $0xF7A, s1;
	s8 =	simm.s32 @!p0 $0x1BF5;
	p2 =	por !p2, p0  }
0x20: {  	[sflag:s8] =	ssyncset.s32 @!p0 $0xFFFFF086;
	s6 =	sadd.s32 @!p0 s3, s7;
	s7 =	simm.s32 @!p0 $0x108  }
0x21: {  	s3 =	sadd.s32 s3, s9;
	s6 =	sadd.s32 @!p0 $0x88, s6;
	s7 =	simm.s32 @p2 $0x1082  }
0x22: {  	[simem:s7], [sflag:s8] =	dma.local @!p0 [hbm:s6], $0xF7A  }
0x23: {  	s9 =	sor.u32 $0xD0000000, s2;
	s6 =	simm.s32 $0x108;
	_ =	swait.ge @!p0 [sflag:s8], $0x0  }
0x24: {  	s3 =	sadd.s32 $0x88, s3;
	s6 =	simm.s32 @!p1 $0x1082;
	[sflag:s4] =	ssyncset.s32 $0xFFFFF086  }
0x25: {  	[simem:s6], [sflag:s4] =	dma.local [hbm:s3], $0xF7A  }
0x26: {  	[smem:$0x3F8E] =	sst s1;
	(tag) =	ssettag s2;
	_ =	strace s9  }
0x27: {  	s1 =	sld [smem:$0x3F9E]  }
0x28: {  	s2 =	sld [smem:$0x3F9F]  }
0x29: {  	s4 =	sld [smem:$0x3FA1]  }
0x2a: {  	p0 =	seq.s32 s5, $0x0;
	s5 =	sld [smem:$0x3FA2]  }
0x2b: {  	s6 =	sld [smem:$0x3FA3]  }
0x2c: {  	s7 =	sld [smem:$0x3FA4]  }
0x2d: {  	s3 =	simm.s32 $0x108;
	s8 =	sld [smem:$0x3FA5]  }
0x2e: {  	s3 =	simm.s32 @!p0 $0x1082;
	s9 =	sld [smem:$0x3FA6]  }
0x2f: {  	lr =	sadd.s32 s0, s3;
	s0 =	sld [smem:$0x3F9D]  }
0x30: {  	s3 =	sld [smem:$0x3FA0]  }
0x31: {  	[smem:$0x3FA9] =	sst s10  }
0x32: {  	s10 =	sld [smem:$0x3FA7];
	_ =	sdelay $0x3  }
0x33: {  	p0 =	seq.s32 s10, $0x1;
	s10 =	sld [smem:$0x3FA9];
	_ =	sdelay $0x3  }
0x34: {  	[smem:$0x3FA9] =	sst s10  }
0x35: {  	s10 =	sld [smem:$0x3FA8];
	_ =	sdelay $0x3  }
0x36: {  	p1 =	seq.s32 s10, $0x1;
	s10 =	sld [smem:$0x3FA9];
	_ =	sdelay $0x3  }
0x37: {  	[smem:$0x3FA9] =	sst s10  }
0x38: {  	s10 =	sld [smem:$0x3FAA]  }
0x39: {  	_ = 	snop;
	(pc) =	sbr.ind lr, $3  }
0x3a: {  	_ = 	snop  }
0x3b: {  	_ = 	snop  }
0x3c: {  	p2 =	seq.s32 s10, $0x1;
	s10 =	sld [smem:$0x3FA9]  }
0x3d: {  	_ =	shalt  }
0x3e: {  	_ =	shalt  }
0x3f: {  	_ =	shalt  }
0x40: {  	_ =	shalt  }
0x41: {  	_ =	shalt  }
0x42: {  	_ =	shalt  }
0x43: {  	_ =	shalt  }
0x44: {  	_ =	shalt  }
0x45: {  	_ =	shalt  }
0x46: {  	_ =	shalt  }
0x47: {  	_ =	shalt  }
0x48: {  	_ =	shalt  }
0x49: {  	_ =	shalt  }
0x4a: {  	_ =	shalt  }
0x4b: {  	_ =	shalt  }
0x4c: {  	_ =	shalt  }
0x4d: {  	_ =	shalt  }
0x4e: {  	_ =	shalt  }
0x4f: {  	_ =	shalt  }
0x50: {  	_ =	shalt  }
0x51: {  	_ =	shalt  }
0x52: {  	_ =	shalt  }
0x53: {  	_ =	shalt  }
0x54: {  	_ =	shalt  }
0x55: {  	_ =	shalt  }
0x56: {  	_ =	shalt  }
0x57: {  	_ =	shalt  }
0x58: {  	_ =	shalt  }
0x59: {  	_ =	shalt  }
0x5a: {  	_ =	shalt  }
0x5b: {  	_ =	shalt  }
0x5c: {  	_ =	shalt  }
0x5d: {  	_ =	shalt  }
0x5e: {  	_ =	shalt  }
0x5f: {  	_ =	shalt  }
0x60: {  	_ =	shalt  }
0x61: {  	_ =	shalt  }
0x62: {  	_ =	shalt  }
0x63: {  	_ =	shalt  }
0x64: {  	_ =	shalt  }
0x65: {  	_ =	shalt  }
0x66: {  	_ =	shalt  }
0x67: {  	_ =	shalt  }
0x68: {  	_ =	shalt  }
0x69: {  	_ =	shalt  }
0x6a: {  	_ =	shalt  }
0x6b: {  	_ =	shalt  }
0x6c: {  	_ =	shalt  }
0x6d: {  	_ =	shalt  }
0x6e: {  	_ =	shalt  }
0x6f: {  	_ =	shalt  }
0x70: {  	_ =	shalt  }
0x71: {  	_ =	shalt  }
0x72: {  	_ =	shalt  }
0x73: {  	_ =	shalt  }
0x74: {  	_ =	shalt  }
0x75: {  	_ =	shalt  }
0x76: {  	_ =	shalt  }
0x77: {  	_ =	shalt  }
0x78: {  	_ =	shalt  }
0x79: {  	_ =	shalt  }
0x7a: {  	_ =	shalt  }
0x7b: {  	_ =	shalt  }
0x7c: {  	_ =	shalt  }
0x7d: {  	_ =	shalt  }
0x7e: {  	_ =	shalt  }
0x7f: {  	_ =	shalt  }
0x80: {  	_ =	shalt  }
0x81: {  	_ =	shalt  }
0x82: {  	_ =	shalt  }
0x83: {  	_ =	shalt  }
0x84: {  	_ =	shalt  }
0x85: {  	_ =	shalt  }
0x86: {  	_ =	shalt  }
0x87: {  	_ =	shalt  }
.Lfunc_end0:
.L_simem_size_0:
called_computation_lowered:
.L_overlay_start_0:
0x88: {  	s2 =	sld [smem:$0x3FD9]  }
0x89: {  	s3 =	sld [smem:$0x3FFE];
	_ =	sdelay $0x1  }
0x8a: {  	s1 =	srdreg.scid  }
0x8b: {  	s0 =	sand.u32 $0x1, s1  }
0x8c: {  	s17 =	sshll.u32 s0, $0xA;
	s2 =	sadd.s32 s3, s2  }
0x8d: {  	s2 =	sadd.s32 s2, s17  }
0x8e: {  	[smem:$0x3FB5] =	sst s2  }
0x8f: {  	_ = 	snop  }
0x90: {  	s2 =	sld [smem:$0x3FD0];
	(tm) =	ssettm $0x1  }
0x91: {  	s18 =	sld [smem:$0x3FFB];
	_ =	sdelay $0x3  }
0x92: {  	_ =	strace s18  }
0x93: {  	s3 =	sld [smem:$0x3FFC];
	_ =	sdelay $0x3  }
0x94: {  	_ =	strace s3  }
0x95: {  	s3 =	sld [smem:$0x3FFD];
	_ =	sdelay $0x3  }
0x96: {  	_ =	strace s3  }
0x97: {  	_ =	strace $0x8FFFFFFF  }
0x98: {  	s19 =	sld [smem:$0x3FDB];
	_ =	sdelay $0x1  }
0x99: {  	s4 =	simm.s32 $_scs_section_size  }
0x9a: {  	s5 =	simm.s32 $_size__tile_overlayer_lowered;
	s6 =	simm.s32 $_tile_overlayer_lowered  }
0x9b: {  	s22 =	simm.s32 $0x1BFF;
	s21 =	sshll.u32 s6, $0x1;
	s3 =	sadd.s32 s4, s19  }
0x9c: {  	s7 =	simm.s32 $0x0;
	s20 =	sshll.u32 s5, $0x1;
	s5 =	sadd.s32 s21, s3  }
0x9d: {  	[timem:s7], [sflag:s22] =	dma.local [hbm:s5], s20  }
0x9e: {  	_ =	swait.ge [sflag:s22], s20  }
0x9f: {  	s4 =	ssub.s32 $0x0, s20;
	[sflag:s22] =	ssyncset.done $0x0  }
0xa0: {  	[sflag:s22] =	ssyncadd.s32 s4;
	_ =	sdelay $0x1  }
0xa1: {  	s23 =	simm.s32 $0x1B8B  }
0xa2: {  	_ =	swait.ge [sflag:s23], $0x1  }
0xa3: {  	[sflag:s23] =	ssyncset.done $0x0  }
0xa4: {  	s25 =	simm.s32 $0x1B8E;
	s24 =	sld [smem:$0x3FFE];
	[sflag:s23] =	ssyncadd.s32 $0xFFFFFFFF  }
0xa5: {  	s26 =	simm.s32 $execute0_lowered;
	[smem:$0x3FD2] =	sst s25  }
0xa6: {  	s5 =	sshll.u32 s26, $0x1;
	_ =	strace $0x80000046;
	[dreg:$0x1] =	wrdreg $0xFFFFFFFF  }
0xa7: {  	s28 =	simm.s32 $_size_execute0_lowered;
	s3 =	sadd.s32 s3, s5;
	[dreg:$0x0] =	wrdreg $0x0  }
0xa8: {  	s5 =	sshll.u32 s28, $0x1;
	[dreg:$0x2] =	wrdreg s3  }
0xa9: {  	[dreg:$0x3] =	wrdreg s5  }
0xaa: {  	[dreg:$0x4] =	wrdreg $0xC0  }
0xab: {  	_ =	task [dreg:s7], $0x5FFFF  }
0xac: {  	[dreg:$0x1] =	wrdreg $0xFFFFFFFF  }
0xad: {  	[dreg:$0x0] =	wrdreg $0x60  }
0xae: {  	[dreg:$0x2] =	wrdreg s24  }
0xaf: {  	[dreg:$0x3] =	wrdreg s2  }
0xb0: {  	[dreg:$0x4] =	wrdreg $0x9  }
0xb1: {  	_ =	task.clear_ibuf [dreg:s7], $0x5FFFF;
	_ =	strace $0x90000046  }
0xb2: {  	s29 =	simm.s32 $0x9;
	_ =	strace $0x80000048  }
0xb3: {  	_ =	swait.ge [sflag:s29], $0x1  }
0xb4: {  	[sflag:s29] =	ssyncadd.s32 $0xFFFFFFFF  }
0xb5: {  	_ =	strace $0x90000048  }
0xb6: {  	_ =	sfence  }
0xb7: {  	s30 =	sld [smem:$0x0];
	_ =	sdelay $0x2  }
0xb8: {  	s31 =	sshll.u32 s1, $0xD;
	s1 =	sshrl.u32 s1, $0x2  }
0xb9: {  	s3 =	sand.u32 $0x4000, s31;
	s1 =	sadd.s32 s1, s30  }
0xba: {  	s0 =	sor.u32 s3, s0;
	s1 =	sshll.u32 s1, $0x11  }
0xbb: {  	s0 =	sor.u32 s1, s0  }
0xbc: {  	s0 =	sadd.s32 $0x8F2B, s0  }
0xbd: {  	[sflag:s0] =	ssyncadd.remote.s32 $0x1  }
0xbe: {  	_ =	sfence.sel $0xFFFF  }
0xbf: {  	[dreg:$0x0] =	wrdreg $0xFFFFFFFF;
	(pc) =	sbr.abs _section_cstart, $3  }
0xc0: {  	[dreg:$0x1] =	wrdreg $0xFFFFFFFF  }
0xc1: {  	_ =	task.clear_ibuf [dreg:s7], $0x2FFFF;
	_ =	strace $0x9FFFFFFF  }
0xc2: {  	(tm) =	ssettm $0x7FFFFFFF  }
0xc3: {  	_ =	shalt  }
tec
execute0_lowered:
.L_overlay_start_1:
0x0: {  	(tag) =	ssettag $0x1  }
0x1: {  	s0 =	rddreg [dreg:$0x0]  }
0x2: {  	s7 =	rddreg [dreg:$0x1]  }
0x3: {  	s1 =	stileid.u32;
	s3 =	srdreg.scid;
	s2 =	simm.s32 $0x0  }
0x4: {  	s30 =	simm.s32 $0x5080;
	s31 =	simm.s32 $0x880;
	s11 =	simm.s32 $0x2080  }
0x5: {  	s12 =	simm.s32 $0x2880;
	s13 =	simm.s32 $0x3080;
	s14 =	simm.s32 $0x3880  }
0x6: {  	s15 =	simm.s32 $0x4080;
	s16 =	simm.s32 $0x4880;
	s17 =	simm.s32 $0x1  }
0x7: {  	s18 =	simm.s32 $0x5100;
	s19 =	simm.s32 $0x5900;
	s20 =	simm.s32 $0x6100  }
0x8: {  	s21 =	simm.s32 $0x6900;
	s22 =	simm.s32 $0x7100;
	s28 =	simm.s32 $0x9900  }
0x9: {  	s29 =	simm.s32 $0x0;
	s4 =	smul.u32 $0x9C400, s1;
	s5 =	sand.u32 $0x1, s3  }
0xa: {  	[smem:$0x7FF] =	sst s2;
	s8 =	smul.u32 $0x4E20, s1;
	s3 =	sadd.s32 $0x8000, s0  }
0xb: {  	s6 =	ssub.s32 $0x2, s5;
	_ =	strace $0x80000047;
	s10 =	smul.u32 $0x2710, s5  }
0xc: {  	s5 =	smul.u32 $0x4E200, s5;
	[dreg:$0x5] =	wrdreg s30;
	s9 =	sshrl.u32 s6, $0x1  }
0xd: {  	[dreg:$0x6] =	wrdreg s31;
	s0 =	sadd.s32 s4, s0;
	s6 =	ssub.s32 s6, s9  }
0xe: {  	s24 =	sadd.s32 s10, s8;
	s0 =	sadd.s32 s5, s0;
	s9 =	simm.s32 $0x1080  }
0xf: {  	s10 =	simm.s32 $0x1880;
	s23 =	smax.u32 s6, $0x1;
	s8 =	sshrl.u32 s24, $0x3  }
0x10: {  	s6 =	sadd.s32 $0x4E200, s24;
	s5 =	sadd.s32 $0x56200, s0;
	s24 =	simm.s32 $0x8100  }
0x11: {  	[dreg:$0x7] =	wrdreg s23;
	s8 =	sadd.s32 s8, s7;
	s25 =	sshrl.u32 s6, $0x3  }
0x12: {  	v2 =	vlaneseq.u32;
	s6 =	sadd.s32 $0xA1A200, s0;
	s23 =	simm.s32 $0x7900;
	[dreg:$0x3] =	wrdreg s8  }
0x13: {  	vm0 =	vmmov $0xffff;
	v1 =	vshrl.u32 v2, $0x3;
	s26 =	sadd.s32 s25, s7;
	s7 =	simm.s32 $0x2;
	s8 =	simm.s32 $0x80  }
0x14: {  	v0 =	vand.u32 $0x7, v2;
	v2 =	vor.u32 $0x8, v2;
	v1 =	vmul.u32 $0x8, v1;
	s25 =	simm.s32 $0x8900;
	[dreg:$0x4] =	wrdreg s26;
	s26 =	simm.s32 $0x9100  }
.LBB2_1:
0x15: {  	s30 =	smov.u32 s6;
	s31 =	smov.u32 s5;
	s0 =	simm.s32 $0x0  }
.LBB2_2:
0x16: {  	s1 =	rddreg [dreg:$0x3]  }
0x17: {  	s1 =	sadd.s32 s0, s1  }
0x18: {  	[tilespmem:s2], [sflag:$0x2] =	stream.linear.gather [hbm4b:s1+s2], $0x50, $0x38;
	[tilespmem:$0xA100] =	vst v63  }
0x19: {  	_ =	swait.ge [sflag:s7], $0x50  }
0x1a: {  	s1 =	rddreg [dreg:$0x4];
	[sflag:s7] =	ssyncset.done $0x0  }
0x1b: {  	s4 =	rddreg [dreg:$0x5];
	[sflag:s7] =	ssyncadd.s32 $0xFFFFFFB0;
	s1 =	sadd.s32 s0, s1  }
0x1c: {  	[tilespmem:s4], [sflag:$0x2] =	stream.linear.gather [hbm4b:s1+s2], $0x50, $0x38;
	[tilespmem:$0xA100] =	vst v63  }
0x1d: {  	_ =	swait.ge [sflag:s7], $0x50  }
0x1e: {  	[sflag:s7] =	ssyncset.done $0x0  }
0x1f: {  	[sflag:s7] =	ssyncadd.s32 $0xFFFFFFB0  }
0x20: {  	v3 =	vld [tilespmem:$0x0];
	_ =	sdelay $0x4  }
0x21: {  	v4 =	vshll.u32 v3, $0x1  }
0x22: {  	v3 =	vand.u32 $0x7, v3;
	v4 =	vand.u32 $0xFFFFFFF0, v4  }
0x23: {  	v3 =	vor.u32 v3, v4  }
0x24: {  	v4 =	vperm.xlane v3, v0;
	_ =	sdelay $0x1  }
0x25: {  	v3 =	vperm.xlane v3, v2;
	v4 =	vadd.s32 v1, v4;
	_ =	sdelay $0x1  }
0x26: {  	v3 =	vadd.s32 v1, v3;
	_ =	sdelay $0x2  }
0x27: {  	[tilespmem:s8], [sflag:$0x1] =	stream.indirect_vreg.gather [hbm4b:s3+s2], $0x80, v4, vm0, $0xb8;
	[tilespmem:$0xA100] =	vst v63  }
0x28: {  	s4 =	rddreg [dreg:$0x6]  }
0x29: {  	[tilespmem:s4], [sflag:$0x1] =	stream.indirect_vreg.gather [hbm4b:s3+s2], $0x80, v3, vm0, $0xb8;
	[tilespmem:$0xA100] =	vst v63  }
0x2a: {  	v3 =	vld [tilespmem:$0x10];
	_ =	sdelay $0x4  }
0x2b: {  	v55 =	vshll.u32 v3, $0x1  }
0x2c: {  	v3 =	vand.u32 $0x7, v3;
	v4 =	vand.u32 $0xFFFFFFF0, v55  }
0x2d: {  	v3 =	vor.u32 v3, v4  }
0x2e: {  	v4 =	vperm.xlane v3, v0;
	_ =	sdelay $0x1  }
0x2f: {  	v3 =	vperm.xlane v3, v2;
	v4 =	vadd.s32 v1, v4;
	_ =	sdelay $0x1  }
0x30: {  	v3 =	vadd.s32 v1, v3;
	_ =	sdelay $0x2  }
0x31: {  	[tilespmem:s9], [sflag:$0x1] =	stream.indirect_vreg.gather [hbm4b:s3+s2], $0x80, v4, vm0, $0xb8;
	[tilespmem:$0xA100] =	vst v63  }
0x32: {  	_ = 	snop  }
0x33: {  	[tilespmem:s10], [sflag:$0x1] =	stream.indirect_vreg.gather [hbm4b:s3+s2], $0x80, v3, vm0, $0xb8;
	[tilespmem:$0xA100] =	vst v63  }
0x34: {  	v3 =	vld [tilespmem:$0x20];
	_ =	sdelay $0x4  }
0x35: {  	v56 =	vshll.u32 v3, $0x1  }
0x36: {  	v3 =	vand.u32 $0x7, v3;
	v4 =	vand.u32 $0xFFFFFFF0, v56  }
0x37: {  	v3 =	vor.u32 v3, v4  }
0x38: {  	v4 =	vperm.xlane v3, v0;
	_ =	sdelay $0x1  }
0x39: {  	v3 =	vperm.xlane v3, v2;
	v4 =	vadd.s32 v1, v4;
	_ =	sdelay $0x1  }
0x3a: {  	v3 =	vadd.s32 v1, v3;
	_ =	sdelay $0x2  }
0x3b: {  	[tilespmem:s11], [sflag:$0x1] =	stream.indirect_vreg.gather [hbm4b:s3+s2], $0x80, v4, vm0, $0xb8;
	[tilespmem:$0xA100] =	vst v63  }
0x3c: {  	_ = 	snop  }
0x3d: {  	[tilespmem:s12], [sflag:$0x1] =	stream.indirect_vreg.gather [hbm4b:s3+s2], $0x80, v3, vm0, $0xb8;
	[tilespmem:$0xA100] =	vst v63  }
0x3e: {  	v3 =	vld [tilespmem:$0x30];
	_ =	sdelay $0x4  }
0x3f: {  	v57 =	vshll.u32 v3, $0x1  }
0x40: {  	v3 =	vand.u32 $0x7, v3;
	v4 =	vand.u32 $0xFFFFFFF0, v57  }
0x41: {  	v3 =	vor.u32 v3, v4  }
0x42: {  	v4 =	vperm.xlane v3, v0;
	_ =	sdelay $0x1  }
0x43: {  	v3 =	vperm.xlane v3, v2;
	v4 =	vadd.s32 v1, v4;
	_ =	sdelay $0x1  }
0x44: {  	v3 =	vadd.s32 v1, v3;
	_ =	sdelay $0x2  }
0x45: {  	[tilespmem:s13], [sflag:$0x1] =	stream.indirect_vreg.gather [hbm4b:s3+s2], $0x80, v4, vm0, $0xb8;
	[tilespmem:$0xA100] =	vst v63  }
0x46: {  	_ = 	snop  }
0x47: {  	[tilespmem:s14], [sflag:$0x1] =	stream.indirect_vreg.gather [hbm4b:s3+s2], $0x80, v3, vm0, $0xb8;
	[tilespmem:$0xA100] =	vst v63  }
0x48: {  	v3 =	vld [tilespmem:$0x40];
	_ =	sdelay $0x4  }
0x49: {  	v58 =	vshll.u32 v3, $0x1  }
0x4a: {  	v3 =	vand.u32 $0x7, v3;
	v4 =	vand.u32 $0xFFFFFFF0, v58  }
0x4b: {  	v3 =	vor.u32 v3, v4  }
0x4c: {  	v4 =	vperm.xlane v3, v0;
	_ =	sdelay $0x1  }
0x4d: {  	v3 =	vperm.xlane v3, v2;
	v4 =	vadd.s32 v1, v4;
	_ =	sdelay $0x1  }
0x4e: {  	v3 =	vadd.s32 v1, v3;
	_ =	sdelay $0x2  }
0x4f: {  	[tilespmem:s15], [sflag:$0x1] =	stream.indirect_vreg.gather [hbm4b:s3+s2], $0x80, v4, vm0, $0xb8;
	[tilespmem:$0xA100] =	vst v63  }
0x50: {  	_ = 	snop  }
0x51: {  	[tilespmem:s16], [sflag:$0x1] =	stream.indirect_vreg.gather [hbm4b:s3+s2], $0x80, v3, vm0, $0xb8;
	[tilespmem:$0xA100] =	vst v63  }
0x52: {  	_ =	swait.ge [sflag:s17], $0x5000  }
0x53: {  	[sflag:s17] =	ssyncset.done $0x0  }
0x54: {  	[sflag:s17] =	ssyncadd.s32 $0xFFFFB000  }
0x55: {  	[hbm4b:s31+s2] =	stream.linear.scatter [tilespmem:s8], [sflag:$0x2], $0x5000, $0x38;
	[tilespmem:$0xA100] =	vst v63  }
0x56: {  	_ =	swait.ge [sflag:s7], $0x5000  }
0x57: {  	[sflag:s7] =	ssyncset.done $0x0  }
0x58: {  	[sflag:s7] =	ssyncadd.s32 $0xFFFFB000  }
0x59: {  	v3 =	vld [tilespmem:$0x5080];
	_ =	sdelay $0x4  }
0x5a: {  	v59 =	vshll.u32 v3, $0x1  }
0x5b: {  	v3 =	vand.u32 $0x7, v3;
	v4 =	vand.u32 $0xFFFFFFF0, v59  }
0x5c: {  	v3 =	vor.u32 v3, v4  }
0x5d: {  	v4 =	vperm.xlane v3, v0;
	_ =	sdelay $0x1  }
0x5e: {  	v3 =	vperm.xlane v3, v2;
	v4 =	vadd.s32 v1, v4;
	_ =	sdelay $0x1  }
0x5f: {  	v3 =	vadd.s32 v1, v3;
	_ =	sdelay $0x2  }
0x60: {  	[tilespmem:s18], [sflag:$0x1] =	stream.indirect_vreg.gather [hbm4b:s3+s2], $0x80, v4, vm0, $0xb8;
	[tilespmem:$0xA100] =	vst v63  }
0x61: {  	_ = 	snop  }
0x62: {  	[tilespmem:s19], [sflag:$0x1] =	stream.indirect_vreg.gather [hbm4b:s3+s2], $0x80, v3, vm0, $0xb8;
	[tilespmem:$0xA100] =	vst v63  }
0x63: {  	v3 =	vld [tilespmem:$0x5090];
	_ =	sdelay $0x4  }
0x64: {  	v60 =	vshll.u32 v3, $0x1  }
0x65: {  	v3 =	vand.u32 $0x7, v3;
	v4 =	vand.u32 $0xFFFFFFF0, v60  }
0x66: {  	v3 =	vor.u32 v3, v4  }
0x67: {  	v4 =	vperm.xlane v3, v0;
	_ =	sdelay $0x1  }
0x68: {  	v3 =	vperm.xlane v3, v2;
	v4 =	vadd.s32 v1, v4;
	_ =	sdelay $0x1  }
0x69: {  	v3 =	vadd.s32 v1, v3;
	_ =	sdelay $0x2  }
0x6a: {  	[tilespmem:s20], [sflag:$0x1] =	stream.indirect_vreg.gather [hbm4b:s3+s2], $0x80, v4, vm0, $0xb8;
	[tilespmem:$0xA100] =	vst v63  }
0x6b: {  	_ = 	snop  }
0x6c: {  	[tilespmem:s21], [sflag:$0x1] =	stream.indirect_vreg.gather [hbm4b:s3+s2], $0x80, v3, vm0, $0xb8;
	[tilespmem:$0xA100] =	vst v63  }
0x6d: {  	v3 =	vld [tilespmem:$0x50A0];
	_ =	sdelay $0x4  }
0x6e: {  	v61 =	vshll.u32 v3, $0x1  }
0x6f: {  	v3 =	vand.u32 $0x7, v3;
	v4 =	vand.u32 $0xFFFFFFF0, v61  }
0x70: {  	v3 =	vor.u32 v3, v4  }
0x71: {  	v4 =	vperm.xlane v3, v0;
	_ =	sdelay $0x1  }
0x72: {  	v3 =	vperm.xlane v3, v2;
	v4 =	vadd.s32 v1, v4;
	_ =	sdelay $0x1  }
0x73: {  	v3 =	vadd.s32 v1, v3;
	_ =	sdelay $0x2  }
0x74: {  	[tilespmem:s22], [sflag:$0x1] =	stream.indirect_vreg.gather [hbm4b:s3+s2], $0x80, v4, vm0, $0xb8;
	[tilespmem:$0xA100] =	vst v63  }
0x75: {  	_ = 	snop  }
0x76: {  	[tilespmem:s23], [sflag:$0x1] =	stream.indirect_vreg.gather [hbm4b:s3+s2], $0x80, v3, vm0, $0xb8;
	[tilespmem:$0xA100] =	vst v63  }
0x77: {  	v3 =	vld [tilespmem:$0x50B0];
	_ =	sdelay $0x4  }
0x78: {  	v62 =	vshll.u32 v3, $0x1  }
0x79: {  	v3 =	vand.u32 $0x7, v3;
	v4 =	vand.u32 $0xFFFFFFF0, v62  }
0x7a: {  	v3 =	vor.u32 v3, v4  }
0x7b: {  	v4 =	vperm.xlane v3, v0;
	_ =	sdelay $0x1  }
0x7c: {  	v3 =	vperm.xlane v3, v2;
	v4 =	vadd.s32 v1, v4;
	_ =	sdelay $0x1  }
0x7d: {  	v3 =	vadd.s32 v1, v3;
	_ =	sdelay $0x2  }
0x7e: {  	[tilespmem:s24], [sflag:$0x1] =	stream.indirect_vreg.gather [hbm4b:s3+s2], $0x80, v4, vm0, $0xb8;
	[tilespmem:$0xA100] =	vst v63  }
0x7f: {  	_ = 	snop  }
0x80: {  	[tilespmem:s25], [sflag:$0x1] =	stream.indirect_vreg.gather [hbm4b:s3+s2], $0x80, v3, vm0, $0xb8;
	[tilespmem:$0xA100] =	vst v63  }
0x81: {  	v3 =	vld [tilespmem:$0x50C0];
	_ =	sdelay $0x4  }
0x82: {  	v63 =	vshll.u32 v3, $0x1  }
0x83: {  	v3 =	vand.u32 $0x7, v3;
	v4 =	vand.u32 $0xFFFFFFF0, v63  }
0x84: {  	v3 =	vor.u32 v3, v4  }
0x85: {  	v4 =	vperm.xlane v3, v0;
	_ =	sdelay $0x1  }
0x86: {  	v3 =	vperm.xlane v3, v2;
	v4 =	vadd.s32 v1, v4;
	_ =	sdelay $0x1  }
0x87: {  	v3 =	vadd.s32 v1, v3;
	_ =	sdelay $0x2  }
0x88: {  	[tilespmem:s26], [sflag:$0x1] =	stream.indirect_vreg.gather [hbm4b:s3+s2], $0x80, v4, vm0, $0xb8;
	[tilespmem:$0xA100] =	vst v63  }
0x89: {  	_ = 	snop  }
0x8a: {  	[tilespmem:s28], [sflag:$0x1] =	stream.indirect_vreg.gather [hbm4b:s3+s2], $0x80, v3, vm0, $0xb8;
	[tilespmem:$0xA100] =	vst v63  }
0x8b: {  	_ =	swait.ge [sflag:s17], $0x5000  }
0x8c: {  	p0 =	sne.s32 s0, $0x4D8;
	[sflag:s17] =	ssyncset.done $0x0  }
.Ltmp0:
0x8d: {  	[sflag:s17] =	ssyncadd.s32 $0xFFFFB000;
	(pc) =	sbr.rel @p0 .LBB2_2-.Ltmp0, $4  }
0x8e: {  	[hbm4b:s30+s2] =	stream.linear.scatter [tilespmem:s18], [sflag:$0x2], $0x5000, $0x38;
	[tilespmem:$0xA100] =	vst v63  }
0x8f: {  	_ =	swait.ge [sflag:s7], $0x5000  }
0x90: {  	s0 =	sadd.s32 $0xA, s0;
	[sflag:s7] =	ssyncset.done $0x0  }
0x91: {  	s31 =	sadd.s32 $0xA00, s31;
	s30 =	sadd.s32 $0xA00, s30;
	[sflag:s7] =	ssyncadd.s32 $0xFFFFB000  }
0x92: {  	s29 =	sadd.s32 $0x1, s29;
	s0 =	rddreg [dreg:$0x7]  }
0x93: {  	p0 =	sne.s32 s29, s0  }
.Ltmp1:
0x94: {  	_ = 	snop;
	(pc) =	sbr.rel @p0 .LBB2_1-.Ltmp1, $1  }
0x95: {  	_ =	sdelay $0x3  }
0x96: {  	_ =	sfence.sel $0x180000  }
0x97: {  	[bflag:$0x0] =	sbarrier.arrive $0xFFFF  }
0x98: {  	_ =	strace $0x90000047  }
0x99: {  	s0 =	stileid.u32;
	[bflag:$0x2] =	sbarrier.arrive $0xFFFF  }
0x9a: {  	p0 =	sne.s32 s0, $0x0;
	s0 =	rddreg [dreg:$0x2]  }
0x9b: {  	s0 =	sadd.s32 @!p0 $0x100000, s0  }
0x9c: {  	[sflag:s0] =	ssyncadd.tile.s32 @!p0 $0x1;
	_ =	shalt  }
.Lfunc_end2:
_tile_overlayer_lowered:
.L_overlay_start_2:
0x9d: {  	(tag) =	ssettag $0x2  }
0x9e: {  	s0 =	rddreg [dreg:$0x0];
	s2 =	stileid.u32  }
0x9f: {  	s1 =	rddreg [dreg:$0x1];
	p0 =	sne.s32 s2, $0x0  }
0xa0: {  	s3 =	rddreg [dreg:$0x2];
	[bflag:$0x3] =	sbarrier.arrive $0xFFFF;
	s2 =	simm.s32 @!p0 $0x1C02  }
0xa1: {  	[timem:s3], [sflag:s2] =	dma.local @!p0 [hbm:s0], s1  }
0xa2: {  	s0 =	simm.s32 @!p0 $0x2  }
0xa3: {  	_ =	swait.ge @!p0 [sflag:s0], s1  }
0xa4: {  	s1 =	ssub.s32 @!p0 $0x0, s1;
	[sflag:s0] =	ssyncset.done @!p0 $0x0  }
0xa5: {  	[sflag:s0] =	ssyncadd.s32 @!p0 s1  }
0xa6: {  	[bflag:$0x3] =	sbarrier.arrive $0xFFFF  }
0xa7: {  	_ =	shalt  }

// kernel: kernel.14.cloned.1.call-start
scs
__scs_entry_jumppad:
0x0: {  	(pc) =	sbr.rel $0x88, $3  }
0x1: {  	(tag) =	ssettag $0x0;
	lr =	simm.s32 $0x1  }
0x2: {  	[smem:$0x3F8E] =	sst lr;
	_ =	strace $0xD0000000  }
0x3: {  	_ = 	snop  }
0x4: {  	_ = 	snop  }
0x5: {  	_ = 	snop  }
0x6: {  	_ = 	snop  }
0x7: {  	_ = 	snop  }
__scs_overlays_trampoline_lowered:
0x8: {  	[smem:$0x3F9D] =	sst s0  }
0x9: {  	[smem:$0x3F9E] =	sst s1  }
0xa: {  	[smem:$0x3F9F] =	sst s2  }
0xb: {  	[smem:$0x3FA0] =	sst s3  }
0xc: {  	[smem:$0x3FA1] =	sst s4  }
0xd: {  	[smem:$0x3FA2] =	sst s5  }
0xe: {  	[smem:$0x3FA3] =	sst s6  }
0xf: {  	[smem:$0x3FA4] =	sst s7  }
0x10: {  	[smem:$0x3FA5] =	sst s8  }
0x11: {  	[smem:$0x3FA6] =	sst s9;
	s0 =	simm.s32 @!p0 $0x0  }
0x12: {  	s1 =	sld [smem:$0x3F8C];
	s0 =	simm.s32 @p0 $0x1  }
0x13: {  	[smem:$0x3FA7] =	sst s0;
	s0 =	simm.s32 @!p1 $0x0  }
0x14: {  	s2 =	sld [smem:$0x3F8B];
	s0 =	simm.s32 @p1 $0x1  }
0x15: {  	[smem:$0x3FA8] =	sst s0;
	s0 =	simm.s32 @!p2 $0x0  }
0x16: {  	s3 =	sld [smem:$0x3FDB];
	s0 =	simm.s32 @p2 $0x1  }
0x17: {  	s4 =	simm.s32 $0x1BF5;
	[smem:$0x3FAA] =	sst s0  }
0x18: {  	s0 =	sld [smem:$0x3F8D];
	_ =	swait.ge [sflag:s4], $0x0  }
0x19: {  	s7 =	sld [smem:$0x3F8E]  }
0x1a: {  	s8 =	sadd.s32 $0xFFFFE003, lr  }
0x1b: {  	s9 =	sadd.s32 $0xFFFFFEF7, lr;
	s5 =	simm.s32 $0xFFFFFFFF;
	p2 =	slt.u32 s8, $0xFFFFF086  }
0x1c: {  	p1 =	slt.u32 s9, $0xF7A;
	s5 =	simm.s32 @!p2 $0x0  }
0x1d: {  	s5 =	simm.s32 @p1 $0x1;
	p0 =	seq.s32 s7, s2  }
0x1e: {  	s7 =	smul.u32 @!p0 $0xF7A, s2;
	p2 =	seq.s32 @!p0 s5, $0x0  }
0x1f: {  	s9 =	smul.u32 $0xF7A, s1;
	s8 =	simm.s32 @!p0 $0x1BF5;
	p2 =	por !p2, p0  }
0x20: {  	[sflag:s8] =	ssyncset.s32 @!p0 $0xFFFFF086;
	s6 =	sadd.s32 @!p0 s3, s7;
	s7 =	simm.s32 @!p0 $0x108  }
0x21: {  	s3 =	sadd.s32 s3, s9;
	s6 =	sadd.s32 @!p0 $0x88, s6;
	s7 =	simm.s32 @p2 $0x1082  }
0x22: {  	[simem:s7], [sflag:s8] =	dma.local @!p0 [hbm:s6], $0xF7A  }
0x23: {  	s9 =	sor.u32 $0xD0000000, s2;
	s6 =	simm.s32 $0x108;
	_ =	swait.ge @!p0 [sflag:s8], $0x0  }
0x24: {  	s3 =	sadd.s32 $0x88, s3;
	s6 =	simm.s32 @!p1 $0x1082;
	[sflag:s4] =	ssyncset.s32 $0xFFFFF086  }
0x25: {  	[simem:s6], [sflag:s4] =	dma.local [hbm:s3], $0xF7A  }
0x26: {  	[smem:$0x3F8E] =	sst s1;
	(tag) =	ssettag s2;
	_ =	strace s9  }
0x27: {  	s1 =	sld [smem:$0x3F9E]  }
0x28: {  	s2 =	sld [smem:$0x3F9F]  }
0x29: {  	s4 =	sld [smem:$0x3FA1]  }
0x2a: {  	p0 =	seq.s32 s5, $0x0;
	s5 =	sld [smem:$0x3FA2]  }
0x2b: {  	s6 =	sld [smem:$0x3FA3]  }
0x2c: {  	s7 =	sld [smem:$0x3FA4]  }
0x2d: {  	s3 =	simm.s32 $0x108;
	s8 =	sld [smem:$0x3FA5]  }
0x2e: {  	s3 =	simm.s32 @!p0 $0x1082;
	s9 =	sld [smem:$0x3FA6]  }
0x2f: {  	lr =	sadd.s32 s0, s3;
	s0 =	sld [smem:$0x3F9D]  }
0x30: {  	s3 =	sld [smem:$0x3FA0]  }
0x31: {  	[smem:$0x3FA9] =	sst s10  }
0x32: {  	s10 =	sld [smem:$0x3FA7];
	_ =	sdelay $0x3  }
0x33: {  	p0 =	seq.s32 s10, $0x1;
	s10 =	sld [smem:$0x3FA9];
	_ =	sdelay $0x3  }
0x34: {  	[smem:$0x3FA9] =	sst s10  }
0x35: {  	s10 =	sld [smem:$0x3FA8];
	_ =	sdelay $0x3  }
0x36: {  	p1 =	seq.s32 s10, $0x1;
	s10 =	sld [smem:$0x3FA9];
	_ =	sdelay $0x3  }
0x37: {  	[smem:$0x3FA9] =	sst s10  }
0x38: {  	s10 =	sld [smem:$0x3FAA]  }
0x39: {  	_ = 	snop;
	(pc) =	sbr.ind lr, $3  }
0x3a: {  	_ = 	snop  }
0x3b: {  	_ = 	snop  }
0x3c: {  	p2 =	seq.s32 s10, $0x1;
	s10 =	sld [smem:$0x3FA9]  }
0x3d: {  	_ =	shalt  }
0x3e: {  	_ =	shalt  }
0x3f: {  	_ =	shalt  }
0x40: {  	_ =	shalt  }
0x41: {  	_ =	shalt  }
0x42: {  	_ =	shalt  }
0x43: {  	_ =	shalt  }
0x44: {  	_ =	shalt  }
0x45: {  	_ =	shalt  }
0x46: {  	_ =	shalt  }
0x47: {  	_ =	shalt  }
0x48: {  	_ =	shalt  }
0x49: {  	_ =	shalt  }
0x4a: {  	_ =	shalt  }
0x4b: {  	_ =	shalt  }
0x4c: {  	_ =	shalt  }
0x4d: {  	_ =	shalt  }
0x4e: {  	_ =	shalt  }
0x4f: {  	_ =	shalt  }
0x50: {  	_ =	shalt  }
0x51: {  	_ =	shalt  }
0x52: {  	_ =	shalt  }
0x53: {  	_ =	shalt  }
0x54: {  	_ =	shalt  }
0x55: {  	_ =	shalt  }
0x56: {  	_ =	shalt  }
0x57: {  	_ =	shalt  }
0x58: {  	_ =	shalt  }
0x59: {  	_ =	shalt  }
0x5a: {  	_ =	shalt  }
0x5b: {  	_ =	shalt  }
0x5c: {  	_ =	shalt  }
0x5d: {  	_ =	shalt  }
0x5e: {  	_ =	shalt  }
0x5f: {  	_ =	shalt  }
0x60: {  	_ =	shalt  }
0x61: {  	_ =	shalt  }
0x62: {  	_ =	shalt  }
0x63: {  	_ =	shalt  }
0x64: {  	_ =	shalt  }
0x65: {  	_ =	shalt  }
0x66: {  	_ =	shalt  }
0x67: {  	_ =	shalt  }
0x68: {  	_ =	shalt  }
0x69: {  	_ =	shalt  }
0x6a: {  	_ =	shalt  }
0x6b: {  	_ =	shalt  }
0x6c: {  	_ =	shalt  }
0x6d: {  	_ =	shalt  }
0x6e: {  	_ =	shalt  }
0x6f: {  	_ =	shalt  }
0x70: {  	_ =	shalt  }
0x71: {  	_ =	shalt  }
0x72: {  	_ =	shalt  }
0x73: {  	_ =	shalt  }
0x74: {  	_ =	shalt  }
0x75: {  	_ =	shalt  }
0x76: {  	_ =	shalt  }
0x77: {  	_ =	shalt  }
0x78: {  	_ =	shalt  }
0x79: {  	_ =	shalt  }
0x7a: {  	_ =	shalt  }
0x7b: {  	_ =	shalt  }
0x7c: {  	_ =	shalt  }
0x7d: {  	_ =	shalt  }
0x7e: {  	_ =	shalt  }
0x7f: {  	_ =	shalt  }
0x80: {  	_ =	shalt  }
0x81: {  	_ =	shalt  }
0x82: {  	_ =	shalt  }
0x83: {  	_ =	shalt  }
0x84: {  	_ =	shalt  }
0x85: {  	_ =	shalt  }
0x86: {  	_ =	shalt  }
0x87: {  	_ =	shalt  }
.Lfunc_end0:
.L_simem_size_0:
called_computation.1_lowered:
.L_overlay_start_0:
0x88: {  	s2 =	sld [smem:$0x3FD9]  }
0x89: {  	s3 =	sld [smem:$0x3FFE];
	_ =	sdelay $0x1  }
0x8a: {  	s1 =	srdreg.scid  }
0x8b: {  	s0 =	sand.u32 $0x1, s1  }
0x8c: {  	s17 =	sshll.u32 s0, $0xA;
	s2 =	sadd.s32 s3, s2  }
0x8d: {  	s2 =	sadd.s32 s2, s17  }
0x8e: {  	[smem:$0x3FB5] =	sst s2  }
0x8f: {  	_ = 	snop  }
0x90: {  	s2 =	sld [smem:$0x3FD0];
	(tm) =	ssettm $0x1  }
0x91: {  	s18 =	sld [smem:$0x3FFB];
	_ =	sdelay $0x3  }
0x92: {  	_ =	strace s18  }
0x93: {  	s3 =	sld [smem:$0x3FFC];
	_ =	sdelay $0x3  }
0x94: {  	_ =	strace s3  }
0x95: {  	s3 =	sld [smem:$0x3FFD];
	_ =	sdelay $0x3  }
0x96: {  	_ =	strace s3  }
0x97: {  	_ =	strace $0x8FFFFFFF  }
0x98: {  	s19 =	sld [smem:$0x3FDB];
	_ =	sdelay $0x1  }
0x99: {  	s4 =	simm.s32 $_scs_section_size  }
0x9a: {  	s5 =	simm.s32 $_size__tile_overlayer_lowered;
	s6 =	simm.s32 $_tile_overlayer_lowered  }
0x9b: {  	s22 =	simm.s32 $0x1BFF;
	s21 =	sshll.u32 s6, $0x1;
	s3 =	sadd.s32 s4, s19  }
0x9c: {  	s7 =	simm.s32 $0x0;
	s20 =	sshll.u32 s5, $0x1;
	s5 =	sadd.s32 s21, s3  }
0x9d: {  	[timem:s7], [sflag:s22] =	dma.local [hbm:s5], s20  }
0x9e: {  	_ =	swait.ge [sflag:s22], s20  }
0x9f: {  	s4 =	ssub.s32 $0x0, s20;
	[sflag:s22] =	ssyncset.done $0x0  }
0xa0: {  	[sflag:s22] =	ssyncadd.s32 s4;
	_ =	sdelay $0x1  }
0xa1: {  	s23 =	simm.s32 $0x1B8B  }
0xa2: {  	_ =	swait.ge [sflag:s23], $0x1  }
0xa3: {  	[sflag:s23] =	ssyncset.done $0x0  }
0xa4: {  	s25 =	simm.s32 $0x1B8E;
	s24 =	sld [smem:$0x3FFE];
	[sflag:s23] =	ssyncadd.s32 $0xFFFFFFFF  }
0xa5: {  	s26 =	simm.s32 $execute0_lowered;
	[smem:$0x3FD2] =	sst s25  }
0xa6: {  	s5 =	sshll.u32 s26, $0x1;
	_ =	strace $0x80000049;
	[dreg:$0x1] =	wrdreg $0xFFFFFFFF  }
0xa7: {  	s28 =	simm.s32 $_size_execute0_lowered;
	s3 =	sadd.s32 s3, s5;
	[dreg:$0x0] =	wrdreg $0x0  }
0xa8: {  	s5 =	sshll.u32 s28, $0x1;
	[dreg:$0x2] =	wrdreg s3  }
0xa9: {  	[dreg:$0x3] =	wrdreg s5  }
0xaa: {  	[dreg:$0x4] =	wrdreg $0xC0  }
0xab: {  	_ =	task [dreg:s7], $0x5FFFF  }
0xac: {  	[dreg:$0x1] =	wrdreg $0xFFFFFFFF  }
0xad: {  	[dreg:$0x0] =	wrdreg $0x60  }
0xae: {  	[dreg:$0x2] =	wrdreg s24  }
0xaf: {  	[dreg:$0x3] =	wrdreg s2  }
0xb0: {  	[dreg:$0x4] =	wrdreg $0x28800  }
0xb1: {  	[dreg:$0x5] =	wrdreg $0x9  }
0xb2: {  	_ =	task.clear_ibuf [dreg:s7], $0x6FFFF;
	_ =	strace $0x90000049  }
0xb3: {  	s29 =	simm.s32 $0x9;
	_ =	strace $0x8000004B  }
0xb4: {  	_ =	swait.ge [sflag:s29], $0x1  }
0xb5: {  	[sflag:s29] =	ssyncadd.s32 $0xFFFFFFFF  }
0xb6: {  	_ =	strace $0x9000004B  }
0xb7: {  	_ =	sfence  }
0xb8: {  	s30 =	sld [smem:$0x0];
	_ =	sdelay $0x2  }
0xb9: {  	s31 =	sshll.u32 s1, $0xD;
	s1 =	sshrl.u32 s1, $0x2  }
0xba: {  	s3 =	sand.u32 $0x4000, s31;
	s1 =	sadd.s32 s1, s30  }
0xbb: {  	s0 =	sor.u32 s3, s0;
	s1 =	sshll.u32 s1, $0x11  }
0xbc: {  	s0 =	sor.u32 s1, s0  }
0xbd: {  	s0 =	sadd.s32 $0x8F2B, s0  }
0xbe: {  	[sflag:s0] =	ssyncadd.remote.s32 $0x1  }
0xbf: {  	_ =	sfence.sel $0xFFFF  }
0xc0: {  	[dreg:$0x0] =	wrdreg $0xFFFFFFFF;
	(pc) =	sbr.abs _section_cstart, $3  }
0xc1: {  	[dreg:$0x1] =	wrdreg $0xFFFFFFFF  }
0xc2: {  	_ =	task.clear_ibuf [dreg:s7], $0x2FFFF;
	_ =	strace $0x9FFFFFFF  }
0xc3: {  	(tm) =	ssettm $0x7FFFFFFF  }
tec
execute0_lowered:
.L_overlay_start_1:
0x0: {  	(tag) =	ssettag $0x1  }
0x1: {  	s4 =	rddreg [dreg:$0x0]  }
0x2: {  	s0 =	rddreg [dreg:$0x1];
	s18 =	stileid.u32  }
0x3: {  	s1 =	srdreg.scid;
	s2 =	rddreg [dreg:$0x2]  }
0x4: {  	s3 =	simm.s32 $0x0;
	s16 =	simm.s32 $0x1;
	s17 =	simm.s32 $0x80  }
0x5: {  	s5 =	smul.u32 $0x4E200, s18;
	s7 =	sand.u32 $0x1, s1;
	s1 =	rddreg [dreg:$0x3]  }
0x6: {  	s20 =	simm.s32 $0x0;
	[smem:$0x7FF] =	sst s3;
	s8 =	smul.u32 $0x14000, s18  }
0x7: {  	s24 =	sshll.u32 s18, $0xC;
	s25 =	smul.u32 $0x50000, s18;
	p0 =	sne.s32 s18, $0x0  }
0x8: {  	s19 =	sshll.u32 s18, $0x6;
	s18 =	simm.s32 $0x50;
	s6 =	smul.u32 $0x140000, s7  }
0x9: {  	_ =	strace $0x8000004A;
	s9 =	sadd.s32 s24, s4;
	s28 =	ssub.s32 $0x2, s7  }
0xa: {  	s13 =	sshll.u32 s7, $0xB;
	s14 =	smul.u32 $0x27100, s7;
	s15 =	sshrl.u32 @!p0 s2, $0x3  }
0xb: {  	s19 =	sor.u32 $0x1C01, s19;
	s11 =	sadd.s32 s5, s4;
	s29 =	sshrl.u32 s28, $0x1  }
0xc: {  	s30 =	sshrl.u32 s25, $0x2;
	s31 =	sadd.s32 s13, s9;
	s6 =	sadd.s32 s8, s6  }
0xd: {  	s12 =	ssub.s32 s28, s29;
	s5 =	sadd.s32 s30, s2;
	s14 =	sadd.s32 s14, s11  }
0xe: {  	s26 =	sshrl.u32 s6, $0x3;
	s9 =	smax.u32 s12, $0x1;
	s11 =	sadd.s32 $0x9CC000, s14  }
0xf: {  	s12 =	sadd.s32 $0xEAE000, s14;
	s13 =	sadd.s32 $0x1DBD000, s14;
	s10 =	sadd.s32 s26, s4  }
0x10: {  	s14 =	sadd.s32 $0x229F000, s14;
	s4 =	sadd.s32 $0x8000, s10;
	s6 =	sadd.s32 $0x58000, s10  }
0x11: {  	s7 =	sadd.s32 $0xA8000, s10;
	s8 =	sadd.s32 $0xF8000, s10;
	s10 =	sadd.s32 $0x13DE400, s31  }
.LBB2_1:
0x12: {  	s21 =	simm.s32 @!p0 $0x1C01  }
0x13: {  	[spmem:s15], [sflag:s21] =	dma.local @!p0 [hbm:s0], $0x28000  }
0x14: {  	s21 =	simm.s32 @!p0 $0x1  }
0x15: {  	_ =	swait.ge @!p0 [sflag:s21], $0x28000  }
0x16: {  	[sflag:s21] =	ssyncset.done @!p0 $0x0  }
0x17: {  	[sflag:s21] =	ssyncadd.s32 @!p0 $0xFFFD8000  }
0x18: {  	s31 =	sadd.s32 $0x0, s10;
	[bflag:$0x0] =	sbarrier.arrive $0xFFFF  }
0x19: {  	[tilespmem:s3], [sflag:$0x1] =	stream.linear.gather [hbm4b:s31+s3], $0x80, $0x38;
	[tilespmem:$0x16880] =	vst v63  }
0x1a: {  	_ =	swait.ge [sflag:s16], $0x80  }
0x1b: {  	[sflag:s16] =	ssyncset.done $0x0  }
0x1c: {  	[sflag:s16] =	ssyncadd.s32 $0xFFFFFF80  }
0x1d: {  	[tilespmem:s17], [sflag:$0x1] =	stream.linear.gather [hbm4b:s11+s3], $0x2800, $0x38;
	[tilespmem:$0x16880] =	vst v63  }
0x1e: {  	_ =	swait.ge [sflag:s16], $0x2800  }
0x1f: {  	[sflag:s16] =	ssyncset.done $0x0  }
0x20: {  	[sflag:s16] =	ssyncadd.s32 $0xFFFFD800  }
0x21: {  	[spmem:s2] =	stream.indirect.scatter.add.f32 [tilespmem:s17], [sflag:$0x1], $0x80, s3, s18, $0xb8;
	[tilespmem:$0x16880] =	vst v63  }
0x22: {  	s22 =	simm.s32 $0x10;
	_ =	swait.ge [sflag:s16], $0x2800  }
0x23: {  	s23 =	simm.s32 $0x20;
	s21 =	sadd.s32 $0x500, s11;
	[sflag:s16] =	ssyncset.done $0x0  }
.LBB2_2:
0x24: {  	s24 =	sadd.s32 s22, s10  }
0x25: {  	[sflag:s16] =	ssyncadd.s32 $0xFFFFD800;
	s22 =	smov.u32 s23;
	s25 =	sadd.s32 $0x10, s23  }
0x26: {  	[tilespmem:s3], [sflag:$0x1] =	stream.linear.gather [hbm4b:s24+s3], $0x80, $0x38;
	[tilespmem:$0x16880] =	vst v63  }
0x27: {  	p1 =	sne.s32 s23, $0x7C0;
	_ =	swait.ge [sflag:s16], $0x80  }
0x28: {  	[sflag:s16] =	ssyncset.done $0x0  }
0x29: {  	[sflag:s16] =	ssyncadd.s32 $0xFFFFFF80  }
0x2a: {  	[tilespmem:s17], [sflag:$0x1] =	stream.linear.gather [hbm4b:s21+s3], $0x2800, $0x38;
	[tilespmem:$0x16880] =	vst v63  }
0x2b: {  	_ =	swait.ge [sflag:s16], $0x2800  }
.Ltmp0:
0x2c: {  	[sflag:s16] =	ssyncset.done $0x0;
	(pc) =	sbr.rel @p1 .LBB2_2-.Ltmp0, $4  }
0x2d: {  	[sflag:s16] =	ssyncadd.s32 $0xFFFFD800  }
0x2e: {  	[spmem:s2] =	stream.indirect.scatter.add.f32 [tilespmem:s17], [sflag:$0x1], $0x80, s3, s18, $0xb8;
	[tilespmem:$0x16880] =	vst v63  }
0x2f: {  	_ =	swait.ge [sflag:s16], $0x2800  }
0x30: {  	s23 =	smov.u32 s25;
	s21 =	sadd.s32 $0x500, s21;
	[sflag:s16] =	ssyncset.done $0x0  }
0x31: {  	s22 =	sadd.s32 s22, s10;
	[sflag:s16] =	ssyncadd.s32 $0xFFFFD800  }
0x32: {  	[tilespmem:s3], [sflag:$0x1] =	stream.linear.gather [hbm4b:s22+s3], $0x80, $0x38;
	[tilespmem:$0x16880] =	vst v63  }
0x33: {  	_ =	swait.ge [sflag:s16], $0x80  }
0x34: {  	[sflag:s16] =	ssyncset.done $0x0  }
0x35: {  	[sflag:s16] =	ssyncadd.s32 $0xFFFFFF80  }
0x36: {  	[tilespmem:s17], [sflag:$0x1] =	stream.linear.gather [hbm4b:s21+s3], $0x2800, $0x38;
	[tilespmem:$0x16880] =	vst v63  }
0x37: {  	_ =	swait.ge [sflag:s16], $0x2800  }
0x38: {  	[sflag:s16] =	ssyncset.done $0x0  }
0x39: {  	[sflag:s16] =	ssyncadd.s32 $0xFFFFD800  }
0x3a: {  	[spmem:s2] =	stream.indirect.scatter.add.f32 [tilespmem:s17], [sflag:$0x1], $0x80, s3, s18, $0xb8;
	[tilespmem:$0x16880] =	vst v63  }
0x3b: {  	_ =	swait.ge [sflag:s16], $0x2800  }
0x3c: {  	[sflag:s16] =	ssyncset.done $0x0  }
0x3d: {  	[sflag:s16] =	ssyncadd.s32 $0xFFFFD800  }
0x3e: {  	s21 =	sshrl.u32 s5, $0x3;
	[bflag:$0x0] =	sbarrier.arrive $0xFFFF  }
0x3f: {  	[hbm:s4], [sflag:s19] =	dma.local [spmem:s21], $0x2800  }
0x40: {  	_ =	swait.ge [sflag:s16], $0x2800  }
0x41: {  	[sflag:s16] =	ssyncset.done $0x0  }
0x42: {  	[sflag:s16] =	ssyncadd.s32 $0xFFFFD800  }
0x43: {  	s22 =	simm.s32 @!p0 $0x1;
	[bflag:$0x0] =	sbarrier.arrive $0xFFFF  }
0x44: {  	[spmem:s15], [sflag:s19] =	dma.local @!p0 [hbm:s0], $0x28000  }
0x45: {  	_ =	swait.ge @!p0 [sflag:s22], $0x28000  }
0x46: {  	[sflag:s22] =	ssyncset.done @!p0 $0x0  }
0x47: {  	[sflag:s22] =	ssyncadd.s32 @!p0 $0xFFFD8000  }
0x48: {  	s31 =	sadd.s32 $0x0, s10;
	[bflag:$0x0] =	sbarrier.arrive $0xFFFF  }
0x49: {  	[tilespmem:s3], [sflag:$0x1] =	stream.linear.gather [hbm4b:s31+s3], $0x80, $0x38;
	[tilespmem:$0x16880] =	vst v63  }
0x4a: {  	_ =	swait.ge [sflag:s16], $0x80  }
0x4b: {  	[sflag:s16] =	ssyncset.done $0x0  }
0x4c: {  	[sflag:s16] =	ssyncadd.s32 $0xFFFFFF80  }
0x4d: {  	[tilespmem:s17], [sflag:$0x1] =	stream.linear.gather [hbm4b:s12+s3], $0x2800, $0x38;
	[tilespmem:$0x16880] =	vst v63  }
0x4e: {  	_ =	swait.ge [sflag:s16], $0x2800  }
0x4f: {  	[sflag:s16] =	ssyncset.done $0x0  }
0x50: {  	[sflag:s16] =	ssyncadd.s32 $0xFFFFD800  }
0x51: {  	[spmem:s2] =	stream.indirect.scatter.add.f32 [tilespmem:s17], [sflag:$0x1], $0x80, s3, s18, $0xb8;
	[tilespmem:$0x16880] =	vst v63  }
0x52: {  	s23 =	simm.s32 $0x10;
	_ =	swait.ge [sflag:s16], $0x2800  }
0x53: {  	s24 =	simm.s32 $0x20;
	s22 =	sadd.s32 $0x500, s12;
	[sflag:s16] =	ssyncset.done $0x0  }
.LBB2_4:
0x54: {  	s25 =	sadd.s32 s23, s10  }
0x55: {  	[sflag:s16] =	ssyncadd.s32 $0xFFFFD800;
	s23 =	smov.u32 s24;
	s26 =	sadd.s32 $0x10, s24  }
0x56: {  	[tilespmem:s3], [sflag:$0x1] =	stream.linear.gather [hbm4b:s25+s3], $0x80, $0x38;
	[tilespmem:$0x16880] =	vst v63  }
0x57: {  	p1 =	sne.s32 s24, $0x7C0;
	_ =	swait.ge [sflag:s16], $0x80  }
0x58: {  	[sflag:s16] =	ssyncset.done $0x0  }
0x59: {  	[sflag:s16] =	ssyncadd.s32 $0xFFFFFF80  }
0x5a: {  	[tilespmem:s17], [sflag:$0x1] =	stream.linear.gather [hbm4b:s22+s3], $0x2800, $0x38;
	[tilespmem:$0x16880] =	vst v63  }
0x5b: {  	_ =	swait.ge [sflag:s16], $0x2800  }
.Ltmp1:
0x5c: {  	[sflag:s16] =	ssyncset.done $0x0;
	(pc) =	sbr.rel @p1 .LBB2_4-.Ltmp1, $4  }
0x5d: {  	[sflag:s16] =	ssyncadd.s32 $0xFFFFD800  }
0x5e: {  	[spmem:s2] =	stream.indirect.scatter.add.f32 [tilespmem:s17], [sflag:$0x1], $0x80, s3, s18, $0xb8;
	[tilespmem:$0x16880] =	vst v63  }
0x5f: {  	_ =	swait.ge [sflag:s16], $0x2800  }
0x60: {  	s24 =	smov.u32 s26;
	s22 =	sadd.s32 $0x500, s22;
	[sflag:s16] =	ssyncset.done $0x0  }
0x61: {  	s23 =	sadd.s32 s23, s10;
	[sflag:s16] =	ssyncadd.s32 $0xFFFFD800  }
0x62: {  	[tilespmem:s3], [sflag:$0x1] =	stream.linear.gather [hbm4b:s23+s3], $0x80, $0x38;
	[tilespmem:$0x16880] =	vst v63  }
0x63: {  	_ =	swait.ge [sflag:s16], $0x80  }
0x64: {  	[sflag:s16] =	ssyncset.done $0x0  }
0x65: {  	[sflag:s16] =	ssyncadd.s32 $0xFFFFFF80  }
0x66: {  	[tilespmem:s17], [sflag:$0x1] =	stream.linear.gather [hbm4b:s22+s3], $0x2800, $0x38;
	[tilespmem:$0x16880] =	vst v63  }
0x67: {  	_ =	swait.ge [sflag:s16], $0x2800  }
0x68: {  	[sflag:s16] =	ssyncset.done $0x0  }
0x69: {  	[sflag:s16] =	ssyncadd.s32 $0xFFFFD800  }
0x6a: {  	[spmem:s2] =	stream.indirect.scatter.add.f32 [tilespmem:s17], [sflag:$0x1], $0x80, s3, s18, $0xb8;
	[tilespmem:$0x16880] =	vst v63  }
0x6b: {  	_ =	swait.ge [sflag:s16], $0x2800  }
0x6c: {  	[sflag:s16] =	ssyncset.done $0x0  }
0x6d: {  	[sflag:s16] =	ssyncadd.s32 $0xFFFFD800  }
0x6e: {  	[bflag:$0x0] =	sbarrier.arrive $0xFFFF  }
0x6f: {  	[hbm:s6], [sflag:s19] =	dma.local [spmem:s21], $0x2800  }
0x70: {  	_ =	swait.ge [sflag:s16], $0x2800  }
0x71: {  	[sflag:s16] =	ssyncset.done $0x0  }
0x72: {  	[sflag:s16] =	ssyncadd.s32 $0xFFFFD800  }
0x73: {  	s22 =	simm.s32 @!p0 $0x1;
	[bflag:$0x0] =	sbarrier.arrive $0xFFFF  }
0x74: {  	[spmem:s15], [sflag:s19] =	dma.local @!p0 [hbm:s0], $0x28000  }
0x75: {  	_ =	swait.ge @!p0 [sflag:s22], $0x28000  }
0x76: {  	[sflag:s22] =	ssyncset.done @!p0 $0x0  }
0x77: {  	[sflag:s22] =	ssyncadd.s32 @!p0 $0xFFFD8000  }
0x78: {  	s31 =	sadd.s32 $0x0, s10;
	[bflag:$0x0] =	sbarrier.arrive $0xFFFF  }
0x79: {  	[tilespmem:s3], [sflag:$0x1] =	stream.linear.gather [hbm4b:s31+s3], $0x80, $0x38;
	[tilespmem:$0x16880] =	vst v63  }
0x7a: {  	_ =	swait.ge [sflag:s16], $0x80  }
0x7b: {  	[sflag:s16] =	ssyncset.done $0x0  }
0x7c: {  	[sflag:s16] =	ssyncadd.s32 $0xFFFFFF80  }
0x7d: {  	[tilespmem:s17], [sflag:$0x1] =	stream.linear.gather [hbm4b:s13+s3], $0x2800, $0x38;
	[tilespmem:$0x16880] =	vst v63  }
0x7e: {  	_ =	swait.ge [sflag:s16], $0x2800  }
0x7f: {  	[sflag:s16] =	ssyncset.done $0x0  }
0x80: {  	[sflag:s16] =	ssyncadd.s32 $0xFFFFD800  }
0x81: {  	[spmem:s2] =	stream.indirect.scatter.add.f32 [tilespmem:s17], [sflag:$0x1], $0x80, s3, s18, $0xb8;
	[tilespmem:$0x16880] =	vst v63  }
0x82: {  	s24 =	simm.s32 $0x20;
	_ =	swait.ge [sflag:s16], $0x2800  }
0x83: {  	s23 =	simm.s32 $0x10;
	s22 =	sadd.s32 $0x500, s13;
	[sflag:s16] =	ssyncset.done $0x0  }
.LBB2_6:
0x84: {  	s25 =	sadd.s32 s23, s10  }
0x85: {  	[sflag:s16] =	ssyncadd.s32 $0xFFFFD800;
	s23 =	smov.u32 s24;
	s26 =	sadd.s32 $0x10, s24  }
0x86: {  	[tilespmem:s3], [sflag:$0x1] =	stream.linear.gather [hbm4b:s25+s3], $0x80, $0x38;
	[tilespmem:$0x16880] =	vst v63  }
0x87: {  	p1 =	sne.s32 s24, $0x7C0;
	_ =	swait.ge [sflag:s16], $0x80  }
0x88: {  	[sflag:s16] =	ssyncset.done $0x0  }
0x89: {  	[sflag:s16] =	ssyncadd.s32 $0xFFFFFF80  }
0x8a: {  	[tilespmem:s17], [sflag:$0x1] =	stream.linear.gather [hbm4b:s22+s3], $0x2800, $0x38;
	[tilespmem:$0x16880] =	vst v63  }
0x8b: {  	_ =	swait.ge [sflag:s16], $0x2800  }
.Ltmp2:
0x8c: {  	[sflag:s16] =	ssyncset.done $0x0;
	(pc) =	sbr.rel @p1 .LBB2_6-.Ltmp2, $4  }
0x8d: {  	[sflag:s16] =	ssyncadd.s32 $0xFFFFD800  }
0x8e: {  	[spmem:s2] =	stream.indirect.scatter.add.f32 [tilespmem:s17], [sflag:$0x1], $0x80, s3, s18, $0xb8;
	[tilespmem:$0x16880] =	vst v63  }
0x8f: {  	_ =	swait.ge [sflag:s16], $0x2800  }
0x90: {  	s24 =	smov.u32 s26;
	s22 =	sadd.s32 $0x500, s22;
	[sflag:s16] =	ssyncset.done $0x0  }
0x91: {  	s23 =	sadd.s32 s23, s10;
	[sflag:s16] =	ssyncadd.s32 $0xFFFFD800  }
0x92: {  	[tilespmem:s3], [sflag:$0x1] =	stream.linear.gather [hbm4b:s23+s3], $0x80, $0x38;
	[tilespmem:$0x16880] =	vst v63  }
0x93: {  	_ =	swait.ge [sflag:s16], $0x80  }
0x94: {  	[sflag:s16] =	ssyncset.done $0x0  }
0x95: {  	[sflag:s16] =	ssyncadd.s32 $0xFFFFFF80  }
0x96: {  	[tilespmem:s17], [sflag:$0x1] =	stream.linear.gather [hbm4b:s22+s3], $0x2800, $0x38;
	[tilespmem:$0x16880] =	vst v63  }
0x97: {  	_ =	swait.ge [sflag:s16], $0x2800  }
0x98: {  	[sflag:s16] =	ssyncset.done $0x0  }
0x99: {  	[sflag:s16] =	ssyncadd.s32 $0xFFFFD800  }
0x9a: {  	[spmem:s2] =	stream.indirect.scatter.add.f32 [tilespmem:s17], [sflag:$0x1], $0x80, s3, s18, $0xb8;
	[tilespmem:$0x16880] =	vst v63  }
0x9b: {  	_ =	swait.ge [sflag:s16], $0x2800  }
0x9c: {  	[sflag:s16] =	ssyncset.done $0x0  }
0x9d: {  	[sflag:s16] =	ssyncadd.s32 $0xFFFFD800  }
0x9e: {  	[bflag:$0x0] =	sbarrier.arrive $0xFFFF  }
0x9f: {  	[hbm:s7], [sflag:s19] =	dma.local [spmem:s21], $0x2800  }
0xa0: {  	_ =	swait.ge [sflag:s16], $0x2800  }
0xa1: {  	[sflag:s16] =	ssyncset.done $0x0  }
0xa2: {  	[sflag:s16] =	ssyncadd.s32 $0xFFFFD800  }
0xa3: {  	s22 =	simm.s32 @!p0 $0x1;
	[bflag:$0x0] =	sbarrier.arrive $0xFFFF  }
0xa4: {  	[spmem:s15], [sflag:s19] =	dma.local @!p0 [hbm:s0], $0x28000  }
0xa5: {  	_ =	swait.ge @!p0 [sflag:s22], $0x28000  }
0xa6: {  	[sflag:s22] =	ssyncset.done @!p0 $0x0  }
0xa7: {  	[sflag:s22] =	ssyncadd.s32 @!p0 $0xFFFD8000  }
0xa8: {  	s31 =	sadd.s32 $0x0, s10;
	[bflag:$0x0] =	sbarrier.arrive $0xFFFF  }
0xa9: {  	[tilespmem:s3], [sflag:$0x1] =	stream.linear.gather [hbm4b:s31+s3], $0x80, $0x38;
	[tilespmem:$0x16880] =	vst v63  }
0xaa: {  	_ =	swait.ge [sflag:s16], $0x80  }
0xab: {  	[sflag:s16] =	ssyncset.done $0x0  }
0xac: {  	[sflag:s16] =	ssyncadd.s32 $0xFFFFFF80  }
0xad: {  	[tilespmem:s17], [sflag:$0x1] =	stream.linear.gather [hbm4b:s14+s3], $0x2800, $0x38;
	[tilespmem:$0x16880] =	vst v63  }
0xae: {  	_ =	swait.ge [sflag:s16], $0x2800  }
0xaf: {  	[sflag:s16] =	ssyncset.done $0x0  }
0xb0: {  	[sflag:s16] =	ssyncadd.s32 $0xFFFFD800  }
0xb1: {  	[spmem:s2] =	stream.indirect.scatter.add.f32 [tilespmem:s17], [sflag:$0x1], $0x80, s3, s18, $0xb8;
	[tilespmem:$0x16880] =	vst v63  }
0xb2: {  	s24 =	simm.s32 $0x20;
	_ =	swait.ge [sflag:s16], $0x2800  }
0xb3: {  	s23 =	simm.s32 $0x10;
	s22 =	sadd.s32 $0x500, s14;
	[sflag:s16] =	ssyncset.done $0x0  }
.LBB2_8:
0xb4: {  	s25 =	sadd.s32 s23, s10  }
0xb5: {  	[sflag:s16] =	ssyncadd.s32 $0xFFFFD800;
	s23 =	smov.u32 s24;
	s26 =	sadd.s32 $0x10, s24  }
0xb6: {  	[tilespmem:s3], [sflag:$0x1] =	stream.linear.gather [hbm4b:s25+s3], $0x80, $0x38;
	[tilespmem:$0x16880] =	vst v63  }
0xb7: {  	p1 =	sne.s32 s24, $0x7C0;
	_ =	swait.ge [sflag:s16], $0x80  }
0xb8: {  	[sflag:s16] =	ssyncset.done $0x0  }
0xb9: {  	[sflag:s16] =	ssyncadd.s32 $0xFFFFFF80  }
0xba: {  	[tilespmem:s17], [sflag:$0x1] =	stream.linear.gather [hbm4b:s22+s3], $0x2800, $0x38;
	[tilespmem:$0x16880] =	vst v63  }
0xbb: {  	_ =	swait.ge [sflag:s16], $0x2800  }
.Ltmp3:
0xbc: {  	[sflag:s16] =	ssyncset.done $0x0;
	(pc) =	sbr.rel @p1 .LBB2_8-.Ltmp3, $4  }
0xbd: {  	[sflag:s16] =	ssyncadd.s32 $0xFFFFD800  }
0xbe: {  	[spmem:s2] =	stream.indirect.scatter.add.f32 [tilespmem:s17], [sflag:$0x1], $0x80, s3, s18, $0xb8;
	[tilespmem:$0x16880] =	vst v63  }
0xbf: {  	_ =	swait.ge [sflag:s16], $0x2800  }
0xc0: {  	s24 =	smov.u32 s26;
	s22 =	sadd.s32 $0x500, s22;
	[sflag:s16] =	ssyncset.done $0x0  }
0xc1: {  	s23 =	sadd.s32 s23, s10;
	[sflag:s16] =	ssyncadd.s32 $0xFFFFD800  }
0xc2: {  	[tilespmem:s3], [sflag:$0x1] =	stream.linear.gather [hbm4b:s23+s3], $0x80, $0x38;
	[tilespmem:$0x16880] =	vst v63  }
0xc3: {  	_ =	swait.ge [sflag:s16], $0x80  }
0xc4: {  	[sflag:s16] =	ssyncset.done $0x0  }
0xc5: {  	[sflag:s16] =	ssyncadd.s32 $0xFFFFFF80  }
0xc6: {  	[tilespmem:s17], [sflag:$0x1] =	stream.linear.gather [hbm4b:s22+s3], $0x2800, $0x38;
	[tilespmem:$0x16880] =	vst v63  }
0xc7: {  	_ =	swait.ge [sflag:s16], $0x2800  }
0xc8: {  	[sflag:s16] =	ssyncset.done $0x0  }
0xc9: {  	[sflag:s16] =	ssyncadd.s32 $0xFFFFD800  }
0xca: {  	[spmem:s2] =	stream.indirect.scatter.add.f32 [tilespmem:s17], [sflag:$0x1], $0x80, s3, s18, $0xb8;
	[tilespmem:$0x16880] =	vst v63  }
0xcb: {  	_ =	swait.ge [sflag:s16], $0x2800  }
0xcc: {  	[sflag:s16] =	ssyncset.done $0x0  }
0xcd: {  	s20 =	sadd.s32 $0x1, s20;
	[sflag:s16] =	ssyncadd.s32 $0xFFFFD800  }
0xce: {  	p1 =	sne.s32 s20, s9;
	[bflag:$0x0] =	sbarrier.arrive $0xFFFF  }
0xcf: {  	[hbm:s8], [sflag:s19] =	dma.local [spmem:s21], $0x2800  }
.Ltmp4:
0xd0: {  	_ =	swait.ge [sflag:s16], $0x2800;
	(pc) =	sbr.rel @p1 .LBB2_1-.Ltmp4, $3  }
0xd1: {  	[sflag:s16] =	ssyncset.done $0x0  }
0xd2: {  	[sflag:s16] =	ssyncadd.s32 $0xFFFFD800  }
0xd3: {  	[bflag:$0x0] =	sbarrier.arrive $0xFFFF;
	_ =	sdelay $0x1  }
0xd4: {  	_ =	sfence.sel $0x180000  }
0xd5: {  	[bflag:$0x0] =	sbarrier.arrive $0xFFFF  }
0xd6: {  	_ =	strace $0x9000004A  }
0xd7: {  	s0 =	sadd.s32 @!p0 $0x100000, s1;
	[bflag:$0x2] =	sbarrier.arrive $0xFFFF  }
0xd8: {  	[sflag:s0] =	ssyncadd.tile.s32 @!p0 $0x1;
	_ =	shalt  }
.Lfunc_end2:
_tile_overlayer_lowered:
.L_overlay_start_2:
0xd9: {  	(tag) =	ssettag $0x2  }
0xda: {  	s0 =	rddreg [dreg:$0x0];
	s2 =	stileid.u32  }
0xdb: {  	s1 =	rddreg [dreg:$0x1];
	p0 =	sne.s32 s2, $0x0  }
0xdc: {  	s3 =	rddreg [dreg:$0x2];
	[bflag:$0x3] =	sbarrier.arrive $0xFFFF;
	s2 =	simm.s32 @!p0 $0x1C01  }
0xdd: {  	[timem:s3], [sflag:s2] =	dma.local @!p0 [hbm:s0], s1  }
0xde: {  	s0 =	simm.s32 @!p0 $0x1  }
0xdf: {  	_ =	swait.ge @!p0 [sflag:s0], s1  }
0xe0: {  	s1 =	ssub.s32 @!p0 $0x0, s1;
	[sflag:s0] =	ssyncset.done @!p0 $0x0  }
0xe1: {  	[sflag:s0] =	ssyncadd.s32 @!p0 s1  }
0xe2: {  	[bflag:$0x3] =	sbarrier.arrive $0xFFFF  }
0xe3: {  	_ =	shalt  }

</sc_bundles>
